<compile_context>
chip_gen: v7x
topology: tpu7x:2x2x1
jax: 0.10.2.dev20260603
libtpu: 0.0.44.dev20260713+nightly
codegen_flags: <defaults>
</compile_context>

<pallas_src>
import functools

import jax
import jax.numpy as jnp
from jax import lax
from jax.experimental import pallas as pl
from jax.experimental.pallas import tpu as pltpu
from jax.experimental.pallas import tpu_sc as plsc

B = 64
N = 32768
K_RANK = int(N * 0.8)
L = 16
NVEC = N // L
NC = 2
NS = 16
ROWS_PER_W = B // (NC * NS)


def _build():
    mesh = plsc.VectorSubcoreMesh(core_axis_name="c", subcore_axis_name="s")

    @functools.partial(
        pl.kernel,
        mesh=mesh,
        out_type=jax.ShapeDtypeStruct((B, N), jnp.float32),
        scratch_types=[
            pltpu.VMEM((N,), jnp.float32),
            pltpu.VMEM((256 * L,), jnp.int32),
        ],
        compiler_params=pltpu.CompilerParams(needs_layout_passes=False),
    )
    def sc_kernel(x_hbm, out_hbm, xbuf, hist):
        wid = lax.axis_index("s") * NC + lax.axis_index("c")
        lanes = lax.iota(jnp.int32, L)
        ones = jnp.ones((L,), jnp.int32)
        zeros16 = jnp.zeros((L,), jnp.int32)

        def keys_of(xv):
            b = lax.bitcast_convert_type(xv, jnp.int32)
            m = lax.shift_right_arithmetic(b, 31) | jnp.int32(-(2 ** 31))
            return lax.bitcast_convert_type(b ^ m, jnp.uint32)

        def do_row(r, _):
            row = wid * ROWS_PER_W + r
            pltpu.sync_copy(x_hbm.at[row], xbuf)

            prefix = jnp.uint32(0)
            k_rem = jnp.int32(K_RANK)

            for p in range(4):
                shift = 24 - 8 * p

                def zbody(i, c):
                    hist[pl.ds(i * L, L)] = zeros16
                    return c

                lax.fori_loop(0, 256, zbody, 0)

                def sbody(i, c, _shift=shift, _p=p, _prefix=prefix):
                    xv = xbuf[pl.ds(i * L, L)]
                    key = keys_of(xv)
                    digit = (key >> jnp.uint32(_shift)) & jnp.uint32(0xFF)
                    idx = digit.astype(jnp.int32) * L + lanes
                    if _p == 0:
                        plsc.addupdate_scatter(hist, [idx], ones)
                    else:
                        pm = (key >> jnp.uint32(_shift + 8)) == _prefix
                        plsc.addupdate_scatter(hist, [idx], ones, mask=pm)
                    return c

                lax.fori_loop(0, NVEC, sbody, 0)

                def chunk_body(c, carry):
                    found, dstar, below, run = carry

                    def acc_body(j, acc):
                        return acc + hist[pl.ds((c * 16 + j) * L, L)]

                    Cc = lax.fori_loop(0, 16, acc_body, zeros16)
                    tot = jnp.sum(Cc)
                    hit = jnp.logical_and(jnp.logical_not(found),
                                          run + tot > k_rem)

                    def in_search(_):
                        def dig_body(j, dc):
                            f2, d2, b2, r2 = dc
                            s = jnp.sum(hist[pl.ds((c * 16 + j) * L, L)])
                            h2 = jnp.logical_and(jnp.logical_not(f2),
                                                 r2 + s > k_rem)
                            d2 = jnp.where(h2, c * 16 + j, d2)
                            b2 = jnp.where(h2, r2, b2)
                            f2 = jnp.logical_or(f2, h2)
                            return (f2, d2, b2, r2 + s)

                        f2, d2, b2, _ = lax.fori_loop(
                            0, 16, dig_body,
                            (jnp.bool_(False), dstar, below, run))
                        return (d2, b2)

                    def no_search(_):
                        return (dstar, below)

                    dstar2, below2 = lax.cond(hit, in_search, no_search, 0)
                    return (jnp.logical_or(found, hit), dstar2, below2,
                            run + tot)

                found, dstar, below, run = lax.fori_loop(
                    0, 16, chunk_body,
                    (jnp.bool_(False), jnp.int32(0), jnp.int32(0),
                     jnp.int32(0)))

                k_rem = k_rem - below
                prefix = (prefix << jnp.uint32(8)) | dstar.astype(jnp.uint32)

            neg = (prefix & jnp.uint32(0x80000000)) == jnp.uint32(0)
            bits = jnp.where(neg, ~prefix, prefix ^ jnp.uint32(0x80000000))
            cutoff_v = lax.bitcast_convert_type(
                jnp.broadcast_to(bits, (L,)), jnp.float32)

            def obody(i, c):
                xv = xbuf[pl.ds(i * L, L)]
                xbuf[pl.ds(i * L, L)] = jnp.maximum(xv - cutoff_v, 0.0)
                return c

            lax.fori_loop(0, NVEC, obody, 0)
            pltpu.sync_copy(xbuf, out_hbm.at[row])
            return 0

        lax.fori_loop(0, ROWS_PER_W, do_row, 0)

    return sc_kernel


_sc_kernel = _build()


def kernel(input):
    return _sc_kernel(input)

# --- scband reference (transcript-rebuilt; emitter-appended) ---
"""Pipeline reference for scband-xsre-lu-perc-47528108097992 (READ-ONLY COPY).

The authoritative reference and input builder live on the scoring server;
editing this copy changes nothing except your own understanding.
"""

import jax, jax.numpy as jnp
import numpy as np


def setup_inputs(seed: int = 0) -> dict:
    key = jax.random.key(seed)
    x = jax.random.normal(key, (64, 32768), dtype=jnp.float32)
    return {"input": x}


def reference(input):
    B = input.shape[0]
    flat = input.reshape(B, -1)
    s = jnp.sort(flat, axis=-1)
    idx = int(s.shape[1] * 0.8)
    cutoff = jax.lax.stop_gradient(s[:, idx])
    bshape = (B,) + (1,) * (input.ndim - 1)
    return jax.nn.relu(input - cutoff.reshape(bshape))

if __name__ == "__main__":
    import jax
    _d = setup_inputs()
    print(jax.jit(kernel)(*tuple(_d.values())))

</pallas_src>

<mosaic_0001>
#map = affine_map<(d0, d1) -> (0, 0)>
module attributes {stable_mosaic.version = 14 : i64} {
  func.func @sc_kernel(%arg0: i32, %arg1: i32, %arg2: memref<64x32768xf32, #tpu.memory_space<hbm>>, %arg3: memref<64x32768xf32, #tpu.memory_space<hbm>>, %arg4: memref<32768xf32, #tpu.memory_space<vmem>>, %arg5: memref<4096xi32, #tpu.memory_space<vmem>>) attributes {dimension_semantics = [#tpu.dimension_semantics<core_parallel>, #tpu.dimension_semantics<subcore_parallel>], iteration_bounds = array<i64: 2, 16>, scalar_prefetch = 0 : i64, scratch_operands = 2 : i64, tpu.core_type = #tpu.core_type<sc_vector_subcore>, window_params = [{transform_indices = #map}, {transform_indices = #map}]} {
    %mul3A = arith.constant 2 : i32
    %mul3A_0 = arith.muli %arg1, %mul3A : i32
    %add3A = arith.addi %mul3A_0, %arg0 : i32
    %iota3A = tpu.iota {dimensions = array<i32: 0>} : vector<16xi32>
    %broadcast_in_dim3A = arith.constant 1 : i32
    %broadcast_in_dim3A_1 = vector.broadcast %broadcast_in_dim3A : i32 to vector<16xi32>
    %broadcast_in_dim3A_2 = arith.constant 0 : i32
    %broadcast_in_dim3A_3 = vector.broadcast %broadcast_in_dim3A_2 : i32 to vector<16xi32>
    %scan3A = arith.constant 0 : i32
    %scan3A_4 = arith.constant 0 : i32
    %scan3A_5 = arith.constant 2 : i32
    %scan3A_6 = arith.addi %scan3A_4, %scan3A_5 : i32
    %scan3A_7 = arith.constant 1 : i32
    %scan3A_8 = scf.for %scan3A_10 = %scan3A_4 to %scan3A_6 step %scan3A_7 iter_args(%scan3A_11 = %scan3A) -> (i32)  : i32 {
      %mul3A_12 = arith.constant 2 : i32
      %mul3A_13 = arith.muli %add3A, %mul3A_12 : i32
      %add3A_14 = arith.addi %mul3A_13, %scan3A_10 : i32
      "tpu.region"() ({
        %run_scoped3A = tpu.sem_alloc : memref<!tpu.dma_semaphore, #tpu.memory_space<semaphore_mem>>
        %dma_start3A = arith.constant 0 : i32
        %dma_start3A_131 = tpu.memref_slice %arg2[%add3A_14, %dma_start3A] : memref<64x32768xf32, #tpu.memory_space<hbm>> -> memref<1x32768xf32, #tpu.memory_space<hbm>>
        %dma_start3A_132 = tpu.memref_squeeze %dma_start3A_131 : memref<1x32768xf32, #tpu.memory_space<hbm>> -> memref<32768xf32, #tpu.memory_space<hbm>>
        %dma_start3A_133 = arith.constant 0 : i32
        %dma_start3A_134 = tpu.memref_slice %arg2[%add3A_14, %dma_start3A_133] : memref<64x32768xf32, #tpu.memory_space<hbm>> -> memref<1x32768xf32, #tpu.memory_space<hbm>>
        %dma_start3A_135 = tpu.memref_squeeze %dma_start3A_134 : memref<1x32768xf32, #tpu.memory_space<hbm>> -> memref<32768xf32, #tpu.memory_space<hbm>>
        tpu.enqueue_dma source(%dma_start3A_135 : memref<32768xf32, #tpu.memory_space<hbm>>) target(%arg4 : memref<32768xf32, #tpu.memory_space<vmem>>) target_semaphore(%run_scoped3A : memref<!tpu.dma_semaphore, #tpu.memory_space<semaphore_mem>>)
        %dma_wait3A = arith.constant 0 : i32
        %dma_wait3A_136 = tpu.memref_slice %arg2[%add3A_14, %dma_wait3A] : memref<64x32768xf32, #tpu.memory_space<hbm>> -> memref<1x32768xf32, #tpu.memory_space<hbm>>
        %dma_wait3A_137 = tpu.memref_squeeze %dma_wait3A_136 : memref<1x32768xf32, #tpu.memory_space<hbm>> -> memref<32768xf32, #tpu.memory_space<hbm>>
        %dma_wait3A_138 = arith.constant 0 : i32
        %dma_wait3A_139 = tpu.memref_slice %arg2[%add3A_14, %dma_wait3A_138] : memref<64x32768xf32, #tpu.memory_space<hbm>> -> memref<1x32768xf32, #tpu.memory_space<hbm>>
        %dma_wait3A_140 = tpu.memref_squeeze %dma_wait3A_139 : memref<1x32768xf32, #tpu.memory_space<hbm>> -> memref<32768xf32, #tpu.memory_space<hbm>>
        tpu.wait_dma2 semaphore(%run_scoped3A : memref<!tpu.dma_semaphore, #tpu.memory_space<semaphore_mem>>) src(%dma_wait3A_140 : memref<32768xf32, #tpu.memory_space<hbm>>) dst(%arg4 : memref<32768xf32, #tpu.memory_space<vmem>>)
        tpu.yield
      }) : () -> ()
      %scan3A_15 = arith.constant 0 : i32
      %scan3A_16 = arith.constant 0 : i32
      %scan3A_17 = arith.constant 256 : i32
      %scan3A_18 = arith.addi %scan3A_16, %scan3A_17 : i32
      %scan3A_19 = arith.constant 1 : i32
      scf.for %scan3A_131 = %scan3A_16 to %scan3A_18 step %scan3A_19  : i32 {
        %mul3A_132 = arith.constant 16 : i32
        %mul3A_133 = arith.muli %scan3A_131, %mul3A_132 : i32
        %swap3A = arith.index_cast %mul3A_133 : i32 to index
        %swap3A_134 = tpu.vector_load %arg5[%swap3A] {strides = array<i32>} : memref<4096xi32, #tpu.memory_space<vmem>>, vector<16xi32>,
        tpu.vector_store %arg5[%swap3A], %broadcast_in_dim3A_3 {strides = array<i32>} : memref<4096xi32, #tpu.memory_space<vmem>>, vector<16xi32>,
      }
      %scan3A_20 = arith.constant 256 : i32
      %scan3A_21 = arith.constant 0 : i32
      %scan3A_22 = arith.constant 0 : i32
      %scan3A_23 = arith.constant 2048 : i32
      %scan3A_24 = arith.addi %scan3A_22, %scan3A_23 : i32
      %scan3A_25 = arith.constant 1 : i32
      scf.for %scan3A_131 = %scan3A_22 to %scan3A_24 step %scan3A_25  : i32 {
        %mul3A_132 = arith.constant 16 : i32
        %mul3A_133 = arith.muli %scan3A_131, %mul3A_132 : i32
        %get3A = arith.index_cast %mul3A_133 : i32 to index
        %get3A_134 = tpu.vector_load %arg4[%get3A] {strides = array<i32>} : memref<32768xf32, #tpu.memory_space<vmem>>, vector<16xf32>,
        %bitcast_convert_type3A_135 = tpu.bitcast %get3A_134 : vector<16xf32> -> vector<16xi32>
        %shift_right_arithmetic3A = arith.constant 31 : i32
        %shift_right_arithmetic3A_136 = vector.broadcast %shift_right_arithmetic3A : i32 to vector<16xi32>
        %shift_right_arithmetic3A_137 = arith.shrsi %bitcast_convert_type3A_135, %shift_right_arithmetic3A_136 : vector<16xi32>
        %or3A_138 = arith.constant -2147483648 : i32
        %or3A_139 = vector.broadcast %or3A_138 : i32 to vector<16xi32>
        %or3A_140 = arith.ori %shift_right_arithmetic3A_137, %or3A_139 : vector<16xi32>
        %xor3A_141 = arith.xori %bitcast_convert_type3A_135, %or3A_140 : vector<16xi32>
        %bitcast_convert_type3A_142 = tpu.bitcast %xor3A_141 : vector<16xi32> -> vector<16xi32>
        %shift_right_logical3A = arith.constant 24 : i32
        %shift_right_logical3A_143 = vector.broadcast %shift_right_logical3A : i32 to vector<16xi32>
        %shift_right_logical3A_144 = arith.shrui %bitcast_convert_type3A_142, %shift_right_logical3A_143 : vector<16xi32>
        %and3A_145 = arith.constant 255 : i32
        %and3A_146 = vector.broadcast %and3A_145 : i32 to vector<16xi32>
        %and3A_147 = arith.andi %shift_right_logical3A_144, %and3A_146 : vector<16xi32>
        %mul3A_148 = arith.constant 16 : i32
        %mul3A_149 = vector.broadcast %mul3A_148 : i32 to vector<16xi32>
        %mul3A_150 = arith.muli %and3A_147, %mul3A_149 : vector<16xi32>
        %add3A_151 = arith.addi %mul3A_150, %iota3A : vector<16xi32>
        tpu.vector_store_idx %arg5[%add3A_151], %broadcast_in_dim3A_1 {add = true} : memref<4096xi32, #tpu.memory_space<vmem>>[vector<16xi32>], vector<16xi32>,
      }
      %scan3A_26 = arith.constant 2048 : i32
      %scan3A_27 = arith.constant 26214 : i32
      %scan3A_28 = arith.constant false
      %scan3A_29 = arith.constant 0 : i32
      %scan3A_30 = arith.constant 0 : i32
      %scan3A_31 = arith.constant 0 : i32
      %scan3A_32 = arith.constant 0 : i32
      %scan3A_33 = arith.constant 16 : i32
      %scan3A_34 = arith.addi %scan3A_32, %scan3A_33 : i32
      %scan3A_35 = arith.constant 1 : i32
      %scan3A_36:4 = scf.for %scan3A_131 = %scan3A_32 to %scan3A_34 step %scan3A_35 iter_args(%scan3A_132 = %scan3A_28, %scan3A_133 = %scan3A_29, %scan3A_134 = %scan3A_30, %scan3A_135 = %scan3A_31) -> (i1, i32, i32, i32)  : i32 {
        %scan3A_136 = arith.constant 0 : i32
        %scan3A_137 = arith.constant 16 : i32
        %scan3A_138 = arith.addi %scan3A_136, %scan3A_137 : i32
        %scan3A_139 = arith.constant 1 : i32
        %scan3A_140 = scf.for %scan3A_154 = %scan3A_136 to %scan3A_138 step %scan3A_139 iter_args(%scan3A_155 = %broadcast_in_dim3A_3) -> (vector<16xi32>)  : i32 {
          %mul3A_156 = arith.constant 16 : i32
          %mul3A_157 = arith.muli %scan3A_131, %mul3A_156 : i32
          %add3A_158 = arith.addi %mul3A_157, %scan3A_154 : i32
          %mul3A_159 = arith.constant 16 : i32
          %mul3A_160 = arith.muli %add3A_158, %mul3A_159 : i32
          %get3A = arith.index_cast %mul3A_160 : i32 to index
          %get3A_161 = tpu.vector_load %arg5[%get3A] {strides = array<i32>} : memref<4096xi32, #tpu.memory_space<vmem>>, vector<16xi32>,
          %add3A_162 = arith.addi %scan3A_155, %get3A_161 : vector<16xi32>
          scf.yield %add3A_162 : vector<16xi32>
        }
        %scan3A_141 = arith.constant 16 : i32
        %reduce_sum3A = arith.constant true
        %reduce_sum3A_142 = vector.broadcast %reduce_sum3A : i1 to vector<16xi1>
        %reduce_sum3A_143 = tpu.scan <sum>, %scan3A_140 masked %reduce_sum3A_142 : vector<16xi32>, vector<16xi1> -> vector<16xi32>
        %reduce_sum3A_144 = vector.extract %reduce_sum3A_143[15] : i32 from vector<16xi32>
        %not3A_145 = arith.constant true
        %not3A_146 = arith.xori %scan3A_132, %not3A_145 : i1
        %add3A_147 = arith.addi %scan3A_135, %reduce_sum3A_144 : i32
        %gt3A = arith.cmpi sgt, %add3A_147, %scan3A_27 : i32
        %and3A_148 = arith.andi %not3A_146, %gt3A : i1
        %convert_element_type3A = arith.extui %and3A_148 : i1 to i32
        %cond3A = arith.constant 0 : i32
        %cond3A_149 = arith.constant 0 : i32
        %cond3A_150 = arith.cmpi ne, %convert_element_type3A, %cond3A_149 : i32
        %cond3A_151:2 = scf.if %cond3A_150 -> (i32, i32) {
          %scan3A_154 = arith.constant false
          %scan3A_155 = arith.constant 0 : i32
          %scan3A_156 = arith.constant 16 : i32
          %scan3A_157 = arith.addi %scan3A_155, %scan3A_156 : i32
          %scan3A_158 = arith.constant 1 : i32
          %scan3A_159:4 = scf.for %scan3A_161 = %scan3A_155 to %scan3A_157 step %scan3A_158 iter_args(%scan3A_162 = %scan3A_154, %scan3A_163 = %scan3A_133, %scan3A_164 = %scan3A_134, %scan3A_165 = %scan3A_135) -> (i1, i32, i32, i32)  : i32 {
            %mul3A_166 = arith.constant 16 : i32
            %mul3A_167 = arith.muli %scan3A_131, %mul3A_166 : i32
            %add3A_168 = arith.addi %mul3A_167, %scan3A_161 : i32
            %mul3A_169 = arith.constant 16 : i32
            %mul3A_170 = arith.muli %add3A_168, %mul3A_169 : i32
            %get3A = arith.index_cast %mul3A_170 : i32 to index
            %get3A_171 = tpu.vector_load %arg5[%get3A] {strides = array<i32>} : memref<4096xi32, #tpu.memory_space<vmem>>, vector<16xi32>,
            %reduce_sum3A_172 = arith.constant true
            %reduce_sum3A_173 = vector.broadcast %reduce_sum3A_172 : i1 to vector<16xi1>
            %reduce_sum3A_174 = tpu.scan <sum>, %get3A_171 masked %reduce_sum3A_173 : vector<16xi32>, vector<16xi1> -> vector<16xi32>
            %reduce_sum3A_175 = vector.extract %reduce_sum3A_174[15] : i32 from vector<16xi32>
            %not3A_176 = arith.constant true
            %not3A_177 = arith.xori %scan3A_162, %not3A_176 : i1
            %add3A_178 = arith.addi %scan3A_165, %reduce_sum3A_175 : i32
            %gt3A_179 = arith.cmpi sgt, %add3A_178, %scan3A_27 : i32
            %and3A_180 = arith.andi %not3A_177, %gt3A_179 : i1
            %mul3A_181 = arith.constant 16 : i32
            %mul3A_182 = arith.muli %scan3A_131, %mul3A_181 : i32
            %add3A_183 = arith.addi %mul3A_182, %scan3A_161 : i32
            %select_n3A_184 = arith.select %and3A_180, %add3A_183, %scan3A_163 : i32
            %select_n3A_185 = arith.select %and3A_180, %scan3A_165, %scan3A_164 : i32
            %or3A_186 = arith.ori %scan3A_162, %and3A_180 : i1
            %add3A_187 = arith.addi %scan3A_165, %reduce_sum3A_175 : i32
            scf.yield %or3A_186, %select_n3A_184, %select_n3A_185, %add3A_187 : i1, i32, i32, i32
          }
          %scan3A_160 = arith.constant 16 : i32
          scf.yield %scan3A_159#1, %scan3A_159#2 : i32, i32
        } else {
          scf.yield %scan3A_133, %scan3A_134 : i32, i32
        }
        %or3A_152 = arith.ori %scan3A_132, %and3A_148 : i1
        %add3A_153 = arith.addi %scan3A_135, %reduce_sum3A_144 : i32
        scf.yield %or3A_152, %cond3A_151#0, %cond3A_151#1, %add3A_153 : i1, i32, i32, i32
      }
      %scan3A_37 = arith.constant 16 : i32
      %sub3A = arith.constant 26214 : i32
      %sub3A_38 = arith.subi %sub3A, %scan3A_36#2 : i32
      %shift_left3A = arith.constant 0 : i32
      %shift_left3A_39 = arith.constant 8 : i32
      %shift_left3A_40 = arith.shli %shift_left3A, %shift_left3A_39 : i32
      %or3A = arith.ori %shift_left3A_40, %scan3A_36#1 : i32
      %scan3A_41 = arith.constant 0 : i32
      %scan3A_42 = arith.constant 0 : i32
      %scan3A_43 = arith.constant 256 : i32
      %scan3A_44 = arith.addi %scan3A_42, %scan3A_43 : i32
      %scan3A_45 = arith.constant 1 : i32
      scf.for %scan3A_131 = %scan3A_42 to %scan3A_44 step %scan3A_45  : i32 {
        %mul3A_132 = arith.constant 16 : i32
        %mul3A_133 = arith.muli %scan3A_131, %mul3A_132 : i32
        %swap3A = arith.index_cast %mul3A_133 : i32 to index
        %swap3A_134 = tpu.vector_load %arg5[%swap3A] {strides = array<i32>} : memref<4096xi32, #tpu.memory_space<vmem>>, vector<16xi32>,
        tpu.vector_store %arg5[%swap3A], %broadcast_in_dim3A_3 {strides = array<i32>} : memref<4096xi32, #tpu.memory_space<vmem>>, vector<16xi32>,
      }
      %scan3A_46 = arith.constant 256 : i32
      %scan3A_47 = arith.constant 0 : i32
      %scan3A_48 = arith.constant 0 : i32
      %scan3A_49 = arith.constant 2048 : i32
      %scan3A_50 = arith.addi %scan3A_48, %scan3A_49 : i32
      %scan3A_51 = arith.constant 1 : i32
      scf.for %scan3A_131 = %scan3A_48 to %scan3A_50 step %scan3A_51  : i32 {
        %mul3A_132 = arith.constant 16 : i32
        %mul3A_133 = arith.muli %scan3A_131, %mul3A_132 : i32
        %get3A = arith.index_cast %mul3A_133 : i32 to index
        %get3A_134 = tpu.vector_load %arg4[%get3A] {strides = array<i32>} : memref<32768xf32, #tpu.memory_space<vmem>>, vector<16xf32>,
        %bitcast_convert_type3A_135 = tpu.bitcast %get3A_134 : vector<16xf32> -> vector<16xi32>
        %shift_right_arithmetic3A = arith.constant 31 : i32
        %shift_right_arithmetic3A_136 = vector.broadcast %shift_right_arithmetic3A : i32 to vector<16xi32>
        %shift_right_arithmetic3A_137 = arith.shrsi %bitcast_convert_type3A_135, %shift_right_arithmetic3A_136 : vector<16xi32>
        %or3A_138 = arith.constant -2147483648 : i32
        %or3A_139 = vector.broadcast %or3A_138 : i32 to vector<16xi32>
        %or3A_140 = arith.ori %shift_right_arithmetic3A_137, %or3A_139 : vector<16xi32>
        %xor3A_141 = arith.xori %bitcast_convert_type3A_135, %or3A_140 : vector<16xi32>
        %bitcast_convert_type3A_142 = tpu.bitcast %xor3A_141 : vector<16xi32> -> vector<16xi32>
        %shift_right_logical3A = arith.constant 16 : i32
        %shift_right_logical3A_143 = vector.broadcast %shift_right_logical3A : i32 to vector<16xi32>
        %shift_right_logical3A_144 = arith.shrui %bitcast_convert_type3A_142, %shift_right_logical3A_143 : vector<16xi32>
        %and3A_145 = arith.constant 255 : i32
        %and3A_146 = vector.broadcast %and3A_145 : i32 to vector<16xi32>
        %and3A_147 = arith.andi %shift_right_logical3A_144, %and3A_146 : vector<16xi32>
        %mul3A_148 = arith.constant 16 : i32
        %mul3A_149 = vector.broadcast %mul3A_148 : i32 to vector<16xi32>
        %mul3A_150 = arith.muli %and3A_147, %mul3A_149 : vector<16xi32>
        %add3A_151 = arith.addi %mul3A_150, %iota3A : vector<16xi32>
        %shift_right_logical3A_152 = arith.constant 24 : i32
        %shift_right_logical3A_153 = vector.broadcast %shift_right_logical3A_152 : i32 to vector<16xi32>
        %shift_right_logical3A_154 = arith.shrui %bitcast_convert_type3A_142, %shift_right_logical3A_153 : vector<16xi32>
        %eq3A_155 = vector.broadcast %or3A : i32 to vector<16xi32>
        %eq3A_156 = arith.cmpi eq, %shift_right_logical3A_154, %eq3A_155 : vector<16xi32>
        tpu.vector_store_idx %arg5[%add3A_151], %broadcast_in_dim3A_1 masked %eq3A_156 {add = true} : memref<4096xi32, #tpu.memory_space<vmem>>[vector<16xi32>], vector<16xi32>, vector<16xi1>
      }
      %scan3A_52 = arith.constant 2048 : i32
      %scan3A_53 = arith.constant false
      %scan3A_54 = arith.constant 0 : i32
      %scan3A_55 = arith.constant 0 : i32
      %scan3A_56 = arith.constant 0 : i32
      %scan3A_57 = arith.constant 0 : i32
      %scan3A_58 = arith.constant 16 : i32
      %scan3A_59 = arith.addi %scan3A_57, %scan3A_58 : i32
      %scan3A_60 = arith.constant 1 : i32
      %scan3A_61:4 = scf.for %scan3A_131 = %scan3A_57 to %scan3A_59 step %scan3A_60 iter_args(%scan3A_132 = %scan3A_53, %scan3A_133 = %scan3A_54, %scan3A_134 = %scan3A_55, %scan3A_135 = %scan3A_56) -> (i1, i32, i32, i32)  : i32 {
        %scan3A_136 = arith.constant 0 : i32
        %scan3A_137 = arith.constant 16 : i32
        %scan3A_138 = arith.addi %scan3A_136, %scan3A_137 : i32
        %scan3A_139 = arith.constant 1 : i32
        %scan3A_140 = scf.for %scan3A_154 = %scan3A_136 to %scan3A_138 step %scan3A_139 iter_args(%scan3A_155 = %broadcast_in_dim3A_3) -> (vector<16xi32>)  : i32 {
          %mul3A_156 = arith.constant 16 : i32
          %mul3A_157 = arith.muli %scan3A_131, %mul3A_156 : i32
          %add3A_158 = arith.addi %mul3A_157, %scan3A_154 : i32
          %mul3A_159 = arith.constant 16 : i32
          %mul3A_160 = arith.muli %add3A_158, %mul3A_159 : i32
          %get3A = arith.index_cast %mul3A_160 : i32 to index
          %get3A_161 = tpu.vector_load %arg5[%get3A] {strides = array<i32>} : memref<4096xi32, #tpu.memory_space<vmem>>, vector<16xi32>,
          %add3A_162 = arith.addi %scan3A_155, %get3A_161 : vector<16xi32>
          scf.yield %add3A_162 : vector<16xi32>
        }
        %scan3A_141 = arith.constant 16 : i32
        %reduce_sum3A = arith.constant true
        %reduce_sum3A_142 = vector.broadcast %reduce_sum3A : i1 to vector<16xi1>
        %reduce_sum3A_143 = tpu.scan <sum>, %scan3A_140 masked %reduce_sum3A_142 : vector<16xi32>, vector<16xi1> -> vector<16xi32>
        %reduce_sum3A_144 = vector.extract %reduce_sum3A_143[15] : i32 from vector<16xi32>
        %not3A_145 = arith.constant true
        %not3A_146 = arith.xori %scan3A_132, %not3A_145 : i1
        %add3A_147 = arith.addi %scan3A_135, %reduce_sum3A_144 : i32
        %gt3A = arith.cmpi sgt, %add3A_147, %sub3A_38 : i32
        %and3A_148 = arith.andi %not3A_146, %gt3A : i1
        %convert_element_type3A = arith.extui %and3A_148 : i1 to i32
        %cond3A = arith.constant 0 : i32
        %cond3A_149 = arith.constant 0 : i32
        %cond3A_150 = arith.cmpi ne, %convert_element_type3A, %cond3A_149 : i32
        %cond3A_151:2 = scf.if %cond3A_150 -> (i32, i32) {
          %scan3A_154 = arith.constant false
          %scan3A_155 = arith.constant 0 : i32
          %scan3A_156 = arith.constant 16 : i32
          %scan3A_157 = arith.addi %scan3A_155, %scan3A_156 : i32
          %scan3A_158 = arith.constant 1 : i32
          %scan3A_159:4 = scf.for %scan3A_161 = %scan3A_155 to %scan3A_157 step %scan3A_158 iter_args(%scan3A_162 = %scan3A_154, %scan3A_163 = %scan3A_133, %scan3A_164 = %scan3A_134, %scan3A_165 = %scan3A_135) -> (i1, i32, i32, i32)  : i32 {
            %mul3A_166 = arith.constant 16 : i32
            %mul3A_167 = arith.muli %scan3A_131, %mul3A_166 : i32
            %add3A_168 = arith.addi %mul3A_167, %scan3A_161 : i32
            %mul3A_169 = arith.constant 16 : i32
            %mul3A_170 = arith.muli %add3A_168, %mul3A_169 : i32
            %get3A = arith.index_cast %mul3A_170 : i32 to index
            %get3A_171 = tpu.vector_load %arg5[%get3A] {strides = array<i32>} : memref<4096xi32, #tpu.memory_space<vmem>>, vector<16xi32>,
            %reduce_sum3A_172 = arith.constant true
            %reduce_sum3A_173 = vector.broadcast %reduce_sum3A_172 : i1 to vector<16xi1>
            %reduce_sum3A_174 = tpu.scan <sum>, %get3A_171 masked %reduce_sum3A_173 : vector<16xi32>, vector<16xi1> -> vector<16xi32>
            %reduce_sum3A_175 = vector.extract %reduce_sum3A_174[15] : i32 from vector<16xi32>
            %not3A_176 = arith.constant true
            %not3A_177 = arith.xori %scan3A_162, %not3A_176 : i1
            %add3A_178 = arith.addi %scan3A_165, %reduce_sum3A_175 : i32
            %gt3A_179 = arith.cmpi sgt, %add3A_178, %sub3A_38 : i32
            %and3A_180 = arith.andi %not3A_177, %gt3A_179 : i1
            %mul3A_181 = arith.constant 16 : i32
            %mul3A_182 = arith.muli %scan3A_131, %mul3A_181 : i32
            %add3A_183 = arith.addi %mul3A_182, %scan3A_161 : i32
            %select_n3A_184 = arith.select %and3A_180, %add3A_183, %scan3A_163 : i32
            %select_n3A_185 = arith.select %and3A_180, %scan3A_165, %scan3A_164 : i32
            %or3A_186 = arith.ori %scan3A_162, %and3A_180 : i1
            %add3A_187 = arith.addi %scan3A_165, %reduce_sum3A_175 : i32
            scf.yield %or3A_186, %select_n3A_184, %select_n3A_185, %add3A_187 : i1, i32, i32, i32
          }
          %scan3A_160 = arith.constant 16 : i32
          scf.yield %scan3A_159#1, %scan3A_159#2 : i32, i32
        } else {
          scf.yield %scan3A_133, %scan3A_134 : i32, i32
        }
        %or3A_152 = arith.ori %scan3A_132, %and3A_148 : i1
        %add3A_153 = arith.addi %scan3A_135, %reduce_sum3A_144 : i32
        scf.yield %or3A_152, %cond3A_151#0, %cond3A_151#1, %add3A_153 : i1, i32, i32, i32
      }
      %scan3A_62 = arith.constant 16 : i32
      %sub3A_63 = arith.subi %sub3A_38, %scan3A_61#2 : i32
      %shift_left3A_64 = arith.constant 8 : i32
      %shift_left3A_65 = arith.shli %or3A, %shift_left3A_64 : i32
      %or3A_66 = arith.ori %shift_left3A_65, %scan3A_61#1 : i32
      %scan3A_67 = arith.constant 0 : i32
      %scan3A_68 = arith.constant 0 : i32
      %scan3A_69 = arith.constant 256 : i32
      %scan3A_70 = arith.addi %scan3A_68, %scan3A_69 : i32
      %scan3A_71 = arith.constant 1 : i32
      scf.for %scan3A_131 = %scan3A_68 to %scan3A_70 step %scan3A_71  : i32 {
        %mul3A_132 = arith.constant 16 : i32
        %mul3A_133 = arith.muli %scan3A_131, %mul3A_132 : i32
        %swap3A = arith.index_cast %mul3A_133 : i32 to index
        %swap3A_134 = tpu.vector_load %arg5[%swap3A] {strides = array<i32>} : memref<4096xi32, #tpu.memory_space<vmem>>, vector<16xi32>,
        tpu.vector_store %arg5[%swap3A], %broadcast_in_dim3A_3 {strides = array<i32>} : memref<4096xi32, #tpu.memory_space<vmem>>, vector<16xi32>,
      }
      %scan3A_72 = arith.constant 256 : i32
      %scan3A_73 = arith.constant 0 : i32
      %scan3A_74 = arith.constant 0 : i32
      %scan3A_75 = arith.constant 2048 : i32
      %scan3A_76 = arith.addi %scan3A_74, %scan3A_75 : i32
      %scan3A_77 = arith.constant 1 : i32
      scf.for %scan3A_131 = %scan3A_74 to %scan3A_76 step %scan3A_77  : i32 {
        %mul3A_132 = arith.constant 16 : i32
        %mul3A_133 = arith.muli %scan3A_131, %mul3A_132 : i32
        %get3A = arith.index_cast %mul3A_133 : i32 to index
        %get3A_134 = tpu.vector_load %arg4[%get3A] {strides = array<i32>} : memref<32768xf32, #tpu.memory_space<vmem>>, vector<16xf32>,
        %bitcast_convert_type3A_135 = tpu.bitcast %get3A_134 : vector<16xf32> -> vector<16xi32>
        %shift_right_arithmetic3A = arith.constant 31 : i32
        %shift_right_arithmetic3A_136 = vector.broadcast %shift_right_arithmetic3A : i32 to vector<16xi32>
        %shift_right_arithmetic3A_137 = arith.shrsi %bitcast_convert_type3A_135, %shift_right_arithmetic3A_136 : vector<16xi32>
        %or3A_138 = arith.constant -2147483648 : i32
        %or3A_139 = vector.broadcast %or3A_138 : i32 to vector<16xi32>
        %or3A_140 = arith.ori %shift_right_arithmetic3A_137, %or3A_139 : vector<16xi32>
        %xor3A_141 = arith.xori %bitcast_convert_type3A_135, %or3A_140 : vector<16xi32>
        %bitcast_convert_type3A_142 = tpu.bitcast %xor3A_141 : vector<16xi32> -> vector<16xi32>
        %shift_right_logical3A = arith.constant 8 : i32
        %shift_right_logical3A_143 = vector.broadcast %shift_right_logical3A : i32 to vector<16xi32>
        %shift_right_logical3A_144 = arith.shrui %bitcast_convert_type3A_142, %shift_right_logical3A_143 : vector<16xi32>
        %and3A_145 = arith.constant 255 : i32
        %and3A_146 = vector.broadcast %and3A_145 : i32 to vector<16xi32>
        %and3A_147 = arith.andi %shift_right_logical3A_144, %and3A_146 : vector<16xi32>
        %mul3A_148 = arith.constant 16 : i32
        %mul3A_149 = vector.broadcast %mul3A_148 : i32 to vector<16xi32>
        %mul3A_150 = arith.muli %and3A_147, %mul3A_149 : vector<16xi32>
        %add3A_151 = arith.addi %mul3A_150, %iota3A : vector<16xi32>
        %shift_right_logical3A_152 = arith.constant 16 : i32
        %shift_right_logical3A_153 = vector.broadcast %shift_right_logical3A_152 : i32 to vector<16xi32>
        %shift_right_logical3A_154 = arith.shrui %bitcast_convert_type3A_142, %shift_right_logical3A_153 : vector<16xi32>
        %eq3A_155 = vector.broadcast %or3A_66 : i32 to vector<16xi32>
        %eq3A_156 = arith.cmpi eq, %shift_right_logical3A_154, %eq3A_155 : vector<16xi32>
        tpu.vector_store_idx %arg5[%add3A_151], %broadcast_in_dim3A_1 masked %eq3A_156 {add = true} : memref<4096xi32, #tpu.memory_space<vmem>>[vector<16xi32>], vector<16xi32>, vector<16xi1>
      }
      %scan3A_78 = arith.constant 2048 : i32
      %scan3A_79 = arith.constant false
      %scan3A_80 = arith.constant 0 : i32
      %scan3A_81 = arith.constant 0 : i32
      %scan3A_82 = arith.constant 0 : i32
      %scan3A_83 = arith.constant 0 : i32
      %scan3A_84 = arith.constant 16 : i32
      %scan3A_85 = arith.addi %scan3A_83, %scan3A_84 : i32
      %scan3A_86 = arith.constant 1 : i32
      %scan3A_87:4 = scf.for %scan3A_131 = %scan3A_83 to %scan3A_85 step %scan3A_86 iter_args(%scan3A_132 = %scan3A_79, %scan3A_133 = %scan3A_80, %scan3A_134 = %scan3A_81, %scan3A_135 = %scan3A_82) -> (i1, i32, i32, i32)  : i32 {
        %scan3A_136 = arith.constant 0 : i32
        %scan3A_137 = arith.constant 16 : i32
        %scan3A_138 = arith.addi %scan3A_136, %scan3A_137 : i32
        %scan3A_139 = arith.constant 1 : i32
        %scan3A_140 = scf.for %scan3A_154 = %scan3A_136 to %scan3A_138 step %scan3A_139 iter_args(%scan3A_155 = %broadcast_in_dim3A_3) -> (vector<16xi32>)  : i32 {
          %mul3A_156 = arith.constant 16 : i32
          %mul3A_157 = arith.muli %scan3A_131, %mul3A_156 : i32
          %add3A_158 = arith.addi %mul3A_157, %scan3A_154 : i32
          %mul3A_159 = arith.constant 16 : i32
          %mul3A_160 = arith.muli %add3A_158, %mul3A_159 : i32
          %get3A = arith.index_cast %mul3A_160 : i32 to index
          %get3A_161 = tpu.vector_load %arg5[%get3A] {strides = array<i32>} : memref<4096xi32, #tpu.memory_space<vmem>>, vector<16xi32>,
          %add3A_162 = arith.addi %scan3A_155, %get3A_161 : vector<16xi32>
          scf.yield %add3A_162 : vector<16xi32>
        }
        %scan3A_141 = arith.constant 16 : i32
        %reduce_sum3A = arith.constant true
        %reduce_sum3A_142 = vector.broadcast %reduce_sum3A : i1 to vector<16xi1>
        %reduce_sum3A_143 = tpu.scan <sum>, %scan3A_140 masked %reduce_sum3A_142 : vector<16xi32>, vector<16xi1> -> vector<16xi32>
        %reduce_sum3A_144 = vector.extract %reduce_sum3A_143[15] : i32 from vector<16xi32>
        %not3A_145 = arith.constant true
        %not3A_146 = arith.xori %scan3A_132, %not3A_145 : i1
        %add3A_147 = arith.addi %scan3A_135, %reduce_sum3A_144 : i32
        %gt3A = arith.cmpi sgt, %add3A_147, %sub3A_63 : i32
        %and3A_148 = arith.andi %not3A_146, %gt3A : i1
        %convert_element_type3A = arith.extui %and3A_148 : i1 to i32
        %cond3A = arith.constant 0 : i32
        %cond3A_149 = arith.constant 0 : i32
        %cond3A_150 = arith.cmpi ne, %convert_element_type3A, %cond3A_149 : i32
        %cond3A_151:2 = scf.if %cond3A_150 -> (i32, i32) {
          %scan3A_154 = arith.constant false
          %scan3A_155 = arith.constant 0 : i32
          %scan3A_156 = arith.constant 16 : i32
          %scan3A_157 = arith.addi %scan3A_155, %scan3A_156 : i32
          %scan3A_158 = arith.constant 1 : i32
          %scan3A_159:4 = scf.for %scan3A_161 = %scan3A_155 to %scan3A_157 step %scan3A_158 iter_args(%scan3A_162 = %scan3A_154, %scan3A_163 = %scan3A_133, %scan3A_164 = %scan3A_134, %scan3A_165 = %scan3A_135) -> (i1, i32, i32, i32)  : i32 {
            %mul3A_166 = arith.constant 16 : i32
            %mul3A_167 = arith.muli %scan3A_131, %mul3A_166 : i32
            %add3A_168 = arith.addi %mul3A_167, %scan3A_161 : i32
            %mul3A_169 = arith.constant 16 : i32
            %mul3A_170 = arith.muli %add3A_168, %mul3A_169 : i32
            %get3A = arith.index_cast %mul3A_170 : i32 to index
            %get3A_171 = tpu.vector_load %arg5[%get3A] {strides = array<i32>} : memref<4096xi32, #tpu.memory_space<vmem>>, vector<16xi32>,
            %reduce_sum3A_172 = arith.constant true
            %reduce_sum3A_173 = vector.broadcast %reduce_sum3A_172 : i1 to vector<16xi1>
            %reduce_sum3A_174 = tpu.scan <sum>, %get3A_171 masked %reduce_sum3A_173 : vector<16xi32>, vector<16xi1> -> vector<16xi32>
            %reduce_sum3A_175 = vector.extract %reduce_sum3A_174[15] : i32 from vector<16xi32>
            %not3A_176 = arith.constant true
            %not3A_177 = arith.xori %scan3A_162, %not3A_176 : i1
            %add3A_178 = arith.addi %scan3A_165, %reduce_sum3A_175 : i32
            %gt3A_179 = arith.cmpi sgt, %add3A_178, %sub3A_63 : i32
            %and3A_180 = arith.andi %not3A_177, %gt3A_179 : i1
            %mul3A_181 = arith.constant 16 : i32
            %mul3A_182 = arith.muli %scan3A_131, %mul3A_181 : i32
            %add3A_183 = arith.addi %mul3A_182, %scan3A_161 : i32
            %select_n3A_184 = arith.select %and3A_180, %add3A_183, %scan3A_163 : i32
            %select_n3A_185 = arith.select %and3A_180, %scan3A_165, %scan3A_164 : i32
            %or3A_186 = arith.ori %scan3A_162, %and3A_180 : i1
            %add3A_187 = arith.addi %scan3A_165, %reduce_sum3A_175 : i32
            scf.yield %or3A_186, %select_n3A_184, %select_n3A_185, %add3A_187 : i1, i32, i32, i32
          }
          %scan3A_160 = arith.constant 16 : i32
          scf.yield %scan3A_159#1, %scan3A_159#2 : i32, i32
        } else {
          scf.yield %scan3A_133, %scan3A_134 : i32, i32
        }
        %or3A_152 = arith.ori %scan3A_132, %and3A_148 : i1
        %add3A_153 = arith.addi %scan3A_135, %reduce_sum3A_144 : i32
        scf.yield %or3A_152, %cond3A_151#0, %cond3A_151#1, %add3A_153 : i1, i32, i32, i32
      }
      %scan3A_88 = arith.constant 16 : i32
      %sub3A_89 = arith.subi %sub3A_63, %scan3A_87#2 : i32
      %shift_left3A_90 = arith.constant 8 : i32
      %shift_left3A_91 = arith.shli %or3A_66, %shift_left3A_90 : i32
      %or3A_92 = arith.ori %shift_left3A_91, %scan3A_87#1 : i32
      %scan3A_93 = arith.constant 0 : i32
      %scan3A_94 = arith.constant 0 : i32
      %scan3A_95 = arith.constant 256 : i32
      %scan3A_96 = arith.addi %scan3A_94, %scan3A_95 : i32
      %scan3A_97 = arith.constant 1 : i32
      scf.for %scan3A_131 = %scan3A_94 to %scan3A_96 step %scan3A_97  : i32 {
        %mul3A_132 = arith.constant 16 : i32
        %mul3A_133 = arith.muli %scan3A_131, %mul3A_132 : i32
        %swap3A = arith.index_cast %mul3A_133 : i32 to index
        %swap3A_134 = tpu.vector_load %arg5[%swap3A] {strides = array<i32>} : memref<4096xi32, #tpu.memory_space<vmem>>, vector<16xi32>,
        tpu.vector_store %arg5[%swap3A], %broadcast_in_dim3A_3 {strides = array<i32>} : memref<4096xi32, #tpu.memory_space<vmem>>, vector<16xi32>,
      }
      %scan3A_98 = arith.constant 256 : i32
      %scan3A_99 = arith.constant 0 : i32
      %scan3A_100 = arith.constant 0 : i32
      %scan3A_101 = arith.constant 2048 : i32
      %scan3A_102 = arith.addi %scan3A_100, %scan3A_101 : i32
      %scan3A_103 = arith.constant 1 : i32
      scf.for %scan3A_131 = %scan3A_100 to %scan3A_102 step %scan3A_103  : i32 {
        %mul3A_132 = arith.constant 16 : i32
        %mul3A_133 = arith.muli %scan3A_131, %mul3A_132 : i32
        %get3A = arith.index_cast %mul3A_133 : i32 to index
        %get3A_134 = tpu.vector_load %arg4[%get3A] {strides = array<i32>} : memref<32768xf32, #tpu.memory_space<vmem>>, vector<16xf32>,
        %bitcast_convert_type3A_135 = tpu.bitcast %get3A_134 : vector<16xf32> -> vector<16xi32>
        %shift_right_arithmetic3A = arith.constant 31 : i32
        %shift_right_arithmetic3A_136 = vector.broadcast %shift_right_arithmetic3A : i32 to vector<16xi32>
        %shift_right_arithmetic3A_137 = arith.shrsi %bitcast_convert_type3A_135, %shift_right_arithmetic3A_136 : vector<16xi32>
        %or3A_138 = arith.constant -2147483648 : i32
        %or3A_139 = vector.broadcast %or3A_138 : i32 to vector<16xi32>
        %or3A_140 = arith.ori %shift_right_arithmetic3A_137, %or3A_139 : vector<16xi32>
        %xor3A_141 = arith.xori %bitcast_convert_type3A_135, %or3A_140 : vector<16xi32>
        %bitcast_convert_type3A_142 = tpu.bitcast %xor3A_141 : vector<16xi32> -> vector<16xi32>
        %shift_right_logical3A = arith.constant 0 : i32
        %shift_right_logical3A_143 = vector.broadcast %shift_right_logical3A : i32 to vector<16xi32>
        %shift_right_logical3A_144 = arith.shrui %bitcast_convert_type3A_142, %shift_right_logical3A_143 : vector<16xi32>
        %and3A_145 = arith.constant 255 : i32
        %and3A_146 = vector.broadcast %and3A_145 : i32 to vector<16xi32>
        %and3A_147 = arith.andi %shift_right_logical3A_144, %and3A_146 : vector<16xi32>
        %mul3A_148 = arith.constant 16 : i32
        %mul3A_149 = vector.broadcast %mul3A_148 : i32 to vector<16xi32>
        %mul3A_150 = arith.muli %and3A_147, %mul3A_149 : vector<16xi32>
        %add3A_151 = arith.addi %mul3A_150, %iota3A : vector<16xi32>
        %shift_right_logical3A_152 = arith.constant 8 : i32
        %shift_right_logical3A_153 = vector.broadcast %shift_right_logical3A_152 : i32 to vector<16xi32>
        %shift_right_logical3A_154 = arith.shrui %bitcast_convert_type3A_142, %shift_right_logical3A_153 : vector<16xi32>
        %eq3A_155 = vector.broadcast %or3A_92 : i32 to vector<16xi32>
        %eq3A_156 = arith.cmpi eq, %shift_right_logical3A_154, %eq3A_155 : vector<16xi32>
        tpu.vector_store_idx %arg5[%add3A_151], %broadcast_in_dim3A_1 masked %eq3A_156 {add = true} : memref<4096xi32, #tpu.memory_space<vmem>>[vector<16xi32>], vector<16xi32>, vector<16xi1>
      }
      %scan3A_104 = arith.constant 2048 : i32
      %scan3A_105 = arith.constant false
      %scan3A_106 = arith.constant 0 : i32
      %scan3A_107 = arith.constant 0 : i32
      %scan3A_108 = arith.constant 0 : i32
      %scan3A_109 = arith.constant 0 : i32
      %scan3A_110 = arith.constant 16 : i32
      %scan3A_111 = arith.addi %scan3A_109, %scan3A_110 : i32
      %scan3A_112 = arith.constant 1 : i32
      %scan3A_113:4 = scf.for %scan3A_131 = %scan3A_109 to %scan3A_111 step %scan3A_112 iter_args(%scan3A_132 = %scan3A_105, %scan3A_133 = %scan3A_106, %scan3A_134 = %scan3A_107, %scan3A_135 = %scan3A_108) -> (i1, i32, i32, i32)  : i32 {
        %scan3A_136 = arith.constant 0 : i32
        %scan3A_137 = arith.constant 16 : i32
        %scan3A_138 = arith.addi %scan3A_136, %scan3A_137 : i32
        %scan3A_139 = arith.constant 1 : i32
        %scan3A_140 = scf.for %scan3A_154 = %scan3A_136 to %scan3A_138 step %scan3A_139 iter_args(%scan3A_155 = %broadcast_in_dim3A_3) -> (vector<16xi32>)  : i32 {
          %mul3A_156 = arith.constant 16 : i32
          %mul3A_157 = arith.muli %scan3A_131, %mul3A_156 : i32
          %add3A_158 = arith.addi %mul3A_157, %scan3A_154 : i32
          %mul3A_159 = arith.constant 16 : i32
          %mul3A_160 = arith.muli %add3A_158, %mul3A_159 : i32
          %get3A = arith.index_cast %mul3A_160 : i32 to index
          %get3A_161 = tpu.vector_load %arg5[%get3A] {strides = array<i32>} : memref<4096xi32, #tpu.memory_space<vmem>>, vector<16xi32>,
          %add3A_162 = arith.addi %scan3A_155, %get3A_161 : vector<16xi32>
          scf.yield %add3A_162 : vector<16xi32>
        }
        %scan3A_141 = arith.constant 16 : i32
        %reduce_sum3A = arith.constant true
        %reduce_sum3A_142 = vector.broadcast %reduce_sum3A : i1 to vector<16xi1>
        %reduce_sum3A_143 = tpu.scan <sum>, %scan3A_140 masked %reduce_sum3A_142 : vector<16xi32>, vector<16xi1> -> vector<16xi32>
        %reduce_sum3A_144 = vector.extract %reduce_sum3A_143[15] : i32 from vector<16xi32>
        %not3A_145 = arith.constant true
        %not3A_146 = arith.xori %scan3A_132, %not3A_145 : i1
        %add3A_147 = arith.addi %scan3A_135, %reduce_sum3A_144 : i32
        %gt3A = arith.cmpi sgt, %add3A_147, %sub3A_89 : i32
        %and3A_148 = arith.andi %not3A_146, %gt3A : i1
        %convert_element_type3A = arith.extui %and3A_148 : i1 to i32
        %cond3A = arith.constant 0 : i32
        %cond3A_149 = arith.constant 0 : i32
        %cond3A_150 = arith.cmpi ne, %convert_element_type3A, %cond3A_149 : i32
        %cond3A_151:2 = scf.if %cond3A_150 -> (i32, i32) {
          %scan3A_154 = arith.constant false
          %scan3A_155 = arith.constant 0 : i32
          %scan3A_156 = arith.constant 16 : i32
          %scan3A_157 = arith.addi %scan3A_155, %scan3A_156 : i32
          %scan3A_158 = arith.constant 1 : i32
          %scan3A_159:4 = scf.for %scan3A_161 = %scan3A_155 to %scan3A_157 step %scan3A_158 iter_args(%scan3A_162 = %scan3A_154, %scan3A_163 = %scan3A_133, %scan3A_164 = %scan3A_134, %scan3A_165 = %scan3A_135) -> (i1, i32, i32, i32)  : i32 {
            %mul3A_166 = arith.constant 16 : i32
            %mul3A_167 = arith.muli %scan3A_131, %mul3A_166 : i32
            %add3A_168 = arith.addi %mul3A_167, %scan3A_161 : i32
            %mul3A_169 = arith.constant 16 : i32
            %mul3A_170 = arith.muli %add3A_168, %mul3A_169 : i32
            %get3A = arith.index_cast %mul3A_170 : i32 to index
            %get3A_171 = tpu.vector_load %arg5[%get3A] {strides = array<i32>} : memref<4096xi32, #tpu.memory_space<vmem>>, vector<16xi32>,
            %reduce_sum3A_172 = arith.constant true
            %reduce_sum3A_173 = vector.broadcast %reduce_sum3A_172 : i1 to vector<16xi1>
            %reduce_sum3A_174 = tpu.scan <sum>, %get3A_171 masked %reduce_sum3A_173 : vector<16xi32>, vector<16xi1> -> vector<16xi32>
            %reduce_sum3A_175 = vector.extract %reduce_sum3A_174[15] : i32 from vector<16xi32>
            %not3A_176 = arith.constant true
            %not3A_177 = arith.xori %scan3A_162, %not3A_176 : i1
            %add3A_178 = arith.addi %scan3A_165, %reduce_sum3A_175 : i32
            %gt3A_179 = arith.cmpi sgt, %add3A_178, %sub3A_89 : i32
            %and3A_180 = arith.andi %not3A_177, %gt3A_179 : i1
            %mul3A_181 = arith.constant 16 : i32
            %mul3A_182 = arith.muli %scan3A_131, %mul3A_181 : i32
            %add3A_183 = arith.addi %mul3A_182, %scan3A_161 : i32
            %select_n3A_184 = arith.select %and3A_180, %add3A_183, %scan3A_163 : i32
            %select_n3A_185 = arith.select %and3A_180, %scan3A_165, %scan3A_164 : i32
            %or3A_186 = arith.ori %scan3A_162, %and3A_180 : i1
            %add3A_187 = arith.addi %scan3A_165, %reduce_sum3A_175 : i32
            scf.yield %or3A_186, %select_n3A_184, %select_n3A_185, %add3A_187 : i1, i32, i32, i32
          }
          %scan3A_160 = arith.constant 16 : i32
          scf.yield %scan3A_159#1, %scan3A_159#2 : i32, i32
        } else {
          scf.yield %scan3A_133, %scan3A_134 : i32, i32
        }
        %or3A_152 = arith.ori %scan3A_132, %and3A_148 : i1
        %add3A_153 = arith.addi %scan3A_135, %reduce_sum3A_144 : i32
        scf.yield %or3A_152, %cond3A_151#0, %cond3A_151#1, %add3A_153 : i1, i32, i32, i32
      }
      %scan3A_114 = arith.constant 16 : i32
      %sub3A_115 = arith.subi %sub3A_89, %scan3A_113#2 : i32
      %shift_left3A_116 = arith.constant 8 : i32
      %shift_left3A_117 = arith.shli %or3A_92, %shift_left3A_116 : i32
      %or3A_118 = arith.ori %shift_left3A_117, %scan3A_113#1 : i32
      %and3A = arith.constant -2147483648 : i32
      %and3A_119 = arith.andi %or3A_118, %and3A : i32
      %eq3A = arith.constant 0 : i32
      %eq3A_120 = arith.cmpi eq, %and3A_119, %eq3A : i32
      %not3A = arith.constant -1 : i32
      %not3A_121 = arith.xori %or3A_118, %not3A : i32
      %xor3A = arith.constant -2147483648 : i32
      %xor3A_122 = arith.xori %or3A_118, %xor3A : i32
      %select_n3A = arith.select %eq3A_120, %not3A_121, %xor3A_122 : i32
      %broadcast_in_dim3A_123 = vector.broadcast %select_n3A : i32 to vector<16xi32>
      %bitcast_convert_type3A = tpu.bitcast %broadcast_in_dim3A_123 : vector<16xi32> -> vector<16xf32>
      %scan3A_124 = arith.constant 0 : i32
      %scan3A_125 = arith.constant 0 : i32
      %scan3A_126 = arith.constant 2048 : i32
      %scan3A_127 = arith.addi %scan3A_125, %scan3A_126 : i32
      %scan3A_128 = arith.constant 1 : i32
      scf.for %scan3A_131 = %scan3A_125 to %scan3A_127 step %scan3A_128  : i32 {
        %mul3A_132 = arith.constant 16 : i32
        %mul3A_133 = arith.muli %scan3A_131, %mul3A_132 : i32
        %get3A = arith.index_cast %mul3A_133 : i32 to index
        %get3A_134 = tpu.vector_load %arg4[%get3A] {strides = array<i32>} : memref<32768xf32, #tpu.memory_space<vmem>>, vector<16xf32>,
        %sub3A_135 = arith.subf %get3A_134, %bitcast_convert_type3A : vector<16xf32>
        %max3A = arith.constant 0.000000e+00 : f32
        %max3A_136 = vector.broadcast %max3A : f32 to vector<16xf32>
        %max3A_137 = arith.maximumf %sub3A_135, %max3A_136 : vector<16xf32>
        %mul3A_138 = arith.constant 16 : i32
        %mul3A_139 = arith.muli %scan3A_131, %mul3A_138 : i32
        %swap3A = arith.index_cast %mul3A_139 : i32 to index
        %swap3A_140 = tpu.vector_load %arg4[%swap3A] {strides = array<i32>} : memref<32768xf32, #tpu.memory_space<vmem>>, vector<16xf32>,
        tpu.vector_store %arg4[%swap3A], %max3A_137 {strides = array<i32>} : memref<32768xf32, #tpu.memory_space<vmem>>, vector<16xf32>,
      }
      %scan3A_129 = arith.constant 2048 : i32
      "tpu.region"() ({
        %run_scoped3A = tpu.sem_alloc : memref<!tpu.dma_semaphore, #tpu.memory_space<semaphore_mem>>
        %dma_start3A = arith.constant 0 : i32
        %dma_start3A_131 = tpu.memref_slice %arg3[%add3A_14, %dma_start3A] : memref<64x32768xf32, #tpu.memory_space<hbm>> -> memref<1x32768xf32, #tpu.memory_space<hbm>>
        %dma_start3A_132 = tpu.memref_squeeze %dma_start3A_131 : memref<1x32768xf32, #tpu.memory_space<hbm>> -> memref<32768xf32, #tpu.memory_space<hbm>>
        %dma_start3A_133 = arith.constant 0 : i32
        %dma_start3A_134 = tpu.memref_slice %arg3[%add3A_14, %dma_start3A_133] : memref<64x32768xf32, #tpu.memory_space<hbm>> -> memref<1x32768xf32, #tpu.memory_space<hbm>>
        %dma_start3A_135 = tpu.memref_squeeze %dma_start3A_134 : memref<1x32768xf32, #tpu.memory_space<hbm>> -> memref<32768xf32, #tpu.memory_space<hbm>>
        tpu.enqueue_dma source(%arg4 : memref<32768xf32, #tpu.memory_space<vmem>>) target(%dma_start3A_135 : memref<32768xf32, #tpu.memory_space<hbm>>) target_semaphore(%run_scoped3A : memref<!tpu.dma_semaphore, #tpu.memory_space<semaphore_mem>>)
        %dma_wait3A = arith.constant 0 : i32
        %dma_wait3A_136 = tpu.memref_slice %arg3[%add3A_14, %dma_wait3A] : memref<64x32768xf32, #tpu.memory_space<hbm>> -> memref<1x32768xf32, #tpu.memory_space<hbm>>
        %dma_wait3A_137 = tpu.memref_squeeze %dma_wait3A_136 : memref<1x32768xf32, #tpu.memory_space<hbm>> -> memref<32768xf32, #tpu.memory_space<hbm>>
        %dma_wait3A_138 = arith.constant 0 : i32
        %dma_wait3A_139 = tpu.memref_slice %arg3[%add3A_14, %dma_wait3A_138] : memref<64x32768xf32, #tpu.memory_space<hbm>> -> memref<1x32768xf32, #tpu.memory_space<hbm>>
        %dma_wait3A_140 = tpu.memref_squeeze %dma_wait3A_139 : memref<1x32768xf32, #tpu.memory_space<hbm>> -> memref<32768xf32, #tpu.memory_space<hbm>>
        tpu.wait_dma2 semaphore(%run_scoped3A : memref<!tpu.dma_semaphore, #tpu.memory_space<semaphore_mem>>) src(%arg4 : memref<32768xf32, #tpu.memory_space<vmem>>) dst(%dma_wait3A_140 : memref<32768xf32, #tpu.memory_space<hbm>>)
        tpu.yield
      }) : () -> ()
      %scan3A_130 = arith.constant 0 : i32
      scf.yield %scan3A_130 : i32
    }
    %scan3A_9 = arith.constant 2 : i32
    return
  }
}

</mosaic_0001>

<sc_bundles>
// kernel: kernel.3.cloned.1.call-start
scs
__scs_entry_jumppad:
0x0: {  	(pc) =	sbr.rel $0x88, $3  }
0x1: {  	(tag) =	ssettag $0x0;
	lr =	simm.s32 $0x1  }
0x2: {  	[smem:$0x3FA0] =	sst lr;
	_ =	strace $0xD0000000  }
0x3: {  	_ = 	snop  }
0x4: {  	_ = 	snop  }
0x5: {  	_ = 	snop  }
0x6: {  	_ = 	snop  }
0x7: {  	_ = 	snop  }
__scs_overlays_trampoline_lowered:
0x8: {  	[smem:$0x3FAF] =	sst s0  }
0x9: {  	[smem:$0x3FB0] =	sst s1  }
0xa: {  	[smem:$0x3FB1] =	sst s2  }
0xb: {  	[smem:$0x3FB2] =	sst s3  }
0xc: {  	[smem:$0x3FB3] =	sst s4  }
0xd: {  	[smem:$0x3FB4] =	sst s5  }
0xe: {  	[smem:$0x3FB5] =	sst s6  }
0xf: {  	[smem:$0x3FB6] =	sst s7  }
0x10: {  	[smem:$0x3FB7] =	sst s8  }
0x11: {  	[smem:$0x3FB8] =	sst s9;
	s0 =	simm.s32 @!p0 $0x0  }
0x12: {  	s1 =	sld [smem:$0x3F9E];
	s0 =	simm.s32 @p0 $0x1  }
0x13: {  	[smem:$0x3FB9] =	sst s0;
	s0 =	simm.s32 @!p1 $0x0  }
0x14: {  	s2 =	sld [smem:$0x3F9D];
	s0 =	simm.s32 @p1 $0x1  }
0x15: {  	[smem:$0x3FBA] =	sst s0;
	s0 =	simm.s32 @!p2 $0x0  }
0x16: {  	s3 =	sld [smem:$0x3FDB];
	s0 =	simm.s32 @p2 $0x1  }
0x17: {  	s4 =	simm.s32 $0x1BF5;
	[smem:$0x3FBC] =	sst s0  }
0x18: {  	s0 =	sld [smem:$0x3F9F];
	_ =	swait.ge [sflag:s4], $0x0  }
0x19: {  	s7 =	sld [smem:$0x3FA0]  }
0x1a: {  	s8 =	sadd.s32 $0xFFFFE003, lr  }
0x1b: {  	s9 =	sadd.s32 $0xFFFFFEF7, lr;
	s5 =	simm.s32 $0xFFFFFFFF;
	p2 =	slt.u32 s8, $0xFFFFF086  }
0x1c: {  	p1 =	slt.u32 s9, $0xF7A;
	s5 =	simm.s32 @!p2 $0x0  }
0x1d: {  	s5 =	simm.s32 @p1 $0x1;
	p0 =	seq.s32 s7, s2  }
0x1e: {  	s7 =	smul.u32 @!p0 $0xF7A, s2;
	p2 =	seq.s32 @!p0 s5, $0x0  }
0x1f: {  	s9 =	smul.u32 $0xF7A, s1;
	s8 =	simm.s32 @!p0 $0x1BF5;
	p2 =	por !p2, p0  }
0x20: {  	[sflag:s8] =	ssyncset.s32 @!p0 $0xFFFFF086;
	s6 =	sadd.s32 @!p0 s3, s7;
	s7 =	simm.s32 @!p0 $0x108  }
0x21: {  	s3 =	sadd.s32 s3, s9;
	s6 =	sadd.s32 @!p0 $0x88, s6;
	s7 =	simm.s32 @p2 $0x1082  }
0x22: {  	[simem:s7], [sflag:s8] =	dma.local @!p0 [hbm:s6], $0xF7A  }
0x23: {  	s9 =	sor.u32 $0xD0000000, s2;
	s6 =	simm.s32 $0x108;
	_ =	swait.ge @!p0 [sflag:s8], $0x0  }
0x24: {  	s3 =	sadd.s32 $0x88, s3;
	s6 =	simm.s32 @!p1 $0x1082;
	[sflag:s4] =	ssyncset.s32 $0xFFFFF086  }
0x25: {  	[simem:s6], [sflag:s4] =	dma.local [hbm:s3], $0xF7A  }
0x26: {  	[smem:$0x3FA0] =	sst s1;
	(tag) =	ssettag s2;
	_ =	strace s9  }
0x27: {  	s1 =	sld [smem:$0x3FB0]  }
0x28: {  	s2 =	sld [smem:$0x3FB1]  }
0x29: {  	s4 =	sld [smem:$0x3FB3]  }
0x2a: {  	p0 =	seq.s32 s5, $0x0;
	s5 =	sld [smem:$0x3FB4]  }
0x2b: {  	s6 =	sld [smem:$0x3FB5]  }
0x2c: {  	s7 =	sld [smem:$0x3FB6]  }
0x2d: {  	s3 =	simm.s32 $0x108;
	s8 =	sld [smem:$0x3FB7]  }
0x2e: {  	s3 =	simm.s32 @!p0 $0x1082;
	s9 =	sld [smem:$0x3FB8]  }
0x2f: {  	lr =	sadd.s32 s0, s3;
	s0 =	sld [smem:$0x3FAF]  }
0x30: {  	s3 =	sld [smem:$0x3FB2]  }
0x31: {  	[smem:$0x3FBB] =	sst s10  }
0x32: {  	s10 =	sld [smem:$0x3FB9];
	_ =	sdelay $0x3  }
0x33: {  	p0 =	seq.s32 s10, $0x1;
	s10 =	sld [smem:$0x3FBB];
	_ =	sdelay $0x3  }
0x34: {  	[smem:$0x3FBB] =	sst s10  }
0x35: {  	s10 =	sld [smem:$0x3FBA];
	_ =	sdelay $0x3  }
0x36: {  	p1 =	seq.s32 s10, $0x1;
	s10 =	sld [smem:$0x3FBB];
	_ =	sdelay $0x3  }
0x37: {  	[smem:$0x3FBB] =	sst s10  }
0x38: {  	s10 =	sld [smem:$0x3FBC]  }
0x39: {  	_ = 	snop;
	(pc) =	sbr.ind lr, $3  }
0x3a: {  	_ = 	snop  }
0x3b: {  	_ = 	snop  }
0x3c: {  	p2 =	seq.s32 s10, $0x1;
	s10 =	sld [smem:$0x3FBB]  }
0x3d: {  	_ =	shalt  }
0x3e: {  	_ =	shalt  }
0x3f: {  	_ =	shalt  }
0x40: {  	_ =	shalt  }
0x41: {  	_ =	shalt  }
0x42: {  	_ =	shalt  }
0x43: {  	_ =	shalt  }
0x44: {  	_ =	shalt  }
0x45: {  	_ =	shalt  }
0x46: {  	_ =	shalt  }
0x47: {  	_ =	shalt  }
0x48: {  	_ =	shalt  }
0x49: {  	_ =	shalt  }
0x4a: {  	_ =	shalt  }
0x4b: {  	_ =	shalt  }
0x4c: {  	_ =	shalt  }
0x4d: {  	_ =	shalt  }
0x4e: {  	_ =	shalt  }
0x4f: {  	_ =	shalt  }
0x50: {  	_ =	shalt  }
0x51: {  	_ =	shalt  }
0x52: {  	_ =	shalt  }
0x53: {  	_ =	shalt  }
0x54: {  	_ =	shalt  }
0x55: {  	_ =	shalt  }
0x56: {  	_ =	shalt  }
0x57: {  	_ =	shalt  }
0x58: {  	_ =	shalt  }
0x59: {  	_ =	shalt  }
0x5a: {  	_ =	shalt  }
0x5b: {  	_ =	shalt  }
0x5c: {  	_ =	shalt  }
0x5d: {  	_ =	shalt  }
0x5e: {  	_ =	shalt  }
0x5f: {  	_ =	shalt  }
0x60: {  	_ =	shalt  }
0x61: {  	_ =	shalt  }
0x62: {  	_ =	shalt  }
0x63: {  	_ =	shalt  }
0x64: {  	_ =	shalt  }
0x65: {  	_ =	shalt  }
0x66: {  	_ =	shalt  }
0x67: {  	_ =	shalt  }
0x68: {  	_ =	shalt  }
0x69: {  	_ =	shalt  }
0x6a: {  	_ =	shalt  }
0x6b: {  	_ =	shalt  }
0x6c: {  	_ =	shalt  }
0x6d: {  	_ =	shalt  }
0x6e: {  	_ =	shalt  }
0x6f: {  	_ =	shalt  }
0x70: {  	_ =	shalt  }
0x71: {  	_ =	shalt  }
0x72: {  	_ =	shalt  }
0x73: {  	_ =	shalt  }
0x74: {  	_ =	shalt  }
0x75: {  	_ =	shalt  }
0x76: {  	_ =	shalt  }
0x77: {  	_ =	shalt  }
0x78: {  	_ =	shalt  }
0x79: {  	_ =	shalt  }
0x7a: {  	_ =	shalt  }
0x7b: {  	_ =	shalt  }
0x7c: {  	_ =	shalt  }
0x7d: {  	_ =	shalt  }
0x7e: {  	_ =	shalt  }
0x7f: {  	_ =	shalt  }
0x80: {  	_ =	shalt  }
0x81: {  	_ =	shalt  }
0x82: {  	_ =	shalt  }
0x83: {  	_ =	shalt  }
0x84: {  	_ =	shalt  }
0x85: {  	_ =	shalt  }
0x86: {  	_ =	shalt  }
0x87: {  	_ =	shalt  }
.Lfunc_end0:
.L_simem_size_0:
called_computation_lowered:
.L_overlay_start_0:
0x88: {  	s2 =	sld [smem:$0x3FD9]  }
0x89: {  	s3 =	sld [smem:$0x3FFE];
	_ =	sdelay $0x1  }
0x8a: {  	s1 =	srdreg.scid  }
0x8b: {  	s0 =	sand.u32 $0x1, s1  }
0x8c: {  	s18 =	sshll.u32 s0, $0xA;
	s2 =	sadd.s32 s3, s2  }
0x8d: {  	s2 =	sadd.s32 s2, s18  }
0x8e: {  	[smem:$0x3FC7] =	sst s2  }
0x8f: {  	_ = 	snop  }
0x90: {  	s2 =	sld [smem:$0x3FC9]  }
0x91: {  	s19 =	sld [smem:$0x3FD0];
	(tm) =	ssettm $0x1  }
0x92: {  	s4 =	sld [smem:$0x3FFB];
	_ =	sdelay $0x3  }
0x93: {  	_ =	strace s4  }
0x94: {  	s4 =	sld [smem:$0x3FFC];
	_ =	sdelay $0x3  }
0x95: {  	_ =	strace s4  }
0x96: {  	s4 =	sld [smem:$0x3FFD];
	_ =	sdelay $0x3  }
0x97: {  	_ =	strace s4  }
0x98: {  	_ =	strace $0x8FFFFFFF  }
0x99: {  	s20 =	sld [smem:$0x3FDB];
	_ =	sdelay $0x1  }
0x9a: {  	s5 =	simm.s32 $_scs_section_size  }
0x9b: {  	s6 =	simm.s32 $_size__tile_overlayer_lowered;
	s7 =	simm.s32 $_tile_overlayer_lowered  }
0x9c: {  	s23 =	simm.s32 $0x1BFF;
	s22 =	sshll.u32 s7, $0x1;
	s4 =	sadd.s32 s5, s20  }
0x9d: {  	s8 =	simm.s32 $0x0;
	s21 =	sshll.u32 s6, $0x1;
	s6 =	sadd.s32 s22, s4  }
0x9e: {  	[timem:s8], [sflag:s23] =	dma.local [hbm:s6], s21  }
0x9f: {  	_ =	swait.ge [sflag:s23], s21  }
0xa0: {  	s5 =	ssub.s32 $0x0, s21;
	[sflag:s23] =	ssyncset.done $0x0  }
0xa1: {  	[sflag:s23] =	ssyncadd.s32 s5;
	_ =	sdelay $0x1  }
0xa2: {  	s24 =	simm.s32 $0x1B8B  }
0xa3: {  	_ =	swait.ge [sflag:s24], $0x1  }
0xa4: {  	[sflag:s24] =	ssyncset.done $0x0  }
0xa5: {  	s25 =	simm.s32 $0x1B8E;
	[sflag:s24] =	ssyncadd.s32 $0xFFFFFFFF  }
0xa6: {  	s26 =	simm.s32 $execute0_lowered;
	[smem:$0x3FD2] =	sst s25  }
0xa7: {  	s5 =	sshll.u32 s26, $0x1;
	_ =	strace $0x80000046;
	[dreg:$0x1] =	wrdreg $0xFFFFFFFF  }
0xa8: {  	s28 =	simm.s32 $_size_execute0_lowered;
	s4 =	sadd.s32 s4, s5;
	[dreg:$0x0] =	wrdreg $0x0  }
0xa9: {  	s5 =	sshll.u32 s28, $0x1;
	[dreg:$0x2] =	wrdreg s4  }
0xaa: {  	[dreg:$0x3] =	wrdreg s5  }
0xab: {  	[dreg:$0x4] =	wrdreg $0xC0  }
0xac: {  	_ =	task [dreg:s8], $0x5FFFF  }
0xad: {  	[dreg:$0x1] =	wrdreg $0xFFFFFFFF  }
0xae: {  	[dreg:$0x0] =	wrdreg $0x60  }
0xaf: {  	[dreg:$0x2] =	wrdreg s2  }
0xb0: {  	[dreg:$0x3] =	wrdreg s19  }
0xb1: {  	[dreg:$0x4] =	wrdreg $0x9  }
0xb2: {  	_ =	task.clear_ibuf [dreg:s8], $0x5FFFF;
	_ =	strace $0x90000046  }
0xb3: {  	s29 =	simm.s32 $0x9;
	_ =	strace $0x80000048  }
0xb4: {  	_ =	swait.ge [sflag:s29], $0x1  }
0xb5: {  	[sflag:s29] =	ssyncadd.s32 $0xFFFFFFFF  }
0xb6: {  	_ =	strace $0x90000048  }
0xb7: {  	_ =	sfence  }
0xb8: {  	s30 =	sld [smem:$0x0];
	_ =	sdelay $0x2  }
0xb9: {  	s31 =	sshll.u32 s1, $0xD;
	s1 =	sshrl.u32 s1, $0x2  }
0xba: {  	s3 =	sand.u32 $0x4000, s31;
	s1 =	sadd.s32 s1, s30  }
0xbb: {  	s0 =	sor.u32 s3, s0;
	s1 =	sshll.u32 s1, $0x11  }
0xbc: {  	s0 =	sor.u32 s1, s0  }
0xbd: {  	s0 =	sadd.s32 $0x8F2B, s0  }
0xbe: {  	[sflag:s0] =	ssyncadd.remote.s32 $0x1  }
0xbf: {  	_ =	sfence.sel $0xFFFF  }
0xc0: {  	[dreg:$0x0] =	wrdreg $0xFFFFFFFF;
	(pc) =	sbr.abs _section_cstart, $3  }
0xc1: {  	[dreg:$0x1] =	wrdreg $0xFFFFFFFF  }
0xc2: {  	_ =	task.clear_ibuf [dreg:s8], $0x2FFFF;
	_ =	strace $0x9FFFFFFF  }
0xc3: {  	(tm) =	ssettm $0x7FFFFFFF  }
tec
execute0_lowered:
.L_overlay_start_1:
0x0: {  	(tag) =	ssettag $0x1  }
0x1: {  	s1 =	rddreg [dreg:$0x0]  }
0x2: {  	s0 =	srdreg.scid;
	s2 =	rddreg [dreg:$0x1];
	s4 =	simm.s32 $0x0  }
0x3: {  	s3 =	stileid.u32;
	s5 =	sand.u32 $0x1, s0;
	s0 =	rddreg [dreg:$0x2]  }
0x4: {  	s10 =	simm.s32 $0x8000;
	s11 =	simm.s32 $0x0;
	[smem:$0x7FF] =	sst s4  }
0x5: {  	s30 =	sshll.u32 s3, $0x6;
	s8 =	sshll.u32 s3, $0xE;
	s6 =	ssub.s32 $0x2, s5  }
0x6: {  	_ =	strace $0x80000047;
	s9 =	sshll.u32 s5, $0x5;
	s7 =	sshrl.u32 s6, $0x1  }
0x7: {  	s8 =	sand.u32 $0x38000, s8;
	s6 =	ssub.s32 s6, s7;
	s7 =	sand.u32 $0x40, s30  }
0x8: {  	s5 =	smax.u32 s6, $0x1;
	s31 =	sor.u32 s9, s7;
	s7 =	simm.s32 $0x80  }
0x9: {  	v0 =	vimm.s32 $0x0;
	v1 =	vlaneseq.u32;
	v2 =	vimm.s32 $0x1;
	s9 =	simm.s32 $0x1;
	s6 =	sor.u32 s8, s31;
	s8 =	simm.s32 $0x400  }
.LBB2_1:
0xa: {  	p1 =	por $0x1, $0x1;
	s12 =	simm.s32 $0x0  }
.LBB2_2:
0xb: {  	s12 =	sor.u32 s6, s12  }
0xc: {  	s14 =	simm.s32 $0x0;
	s13 =	sadd.s32 s1, s12  }
0xd: {  	[tilespmem:s14], [sflag:$0x1] =	stream.strided.gather [hbm4b:s13+s7], $0x8000, s8, s7, $0x38;
	[tilespmem:$0x9000] =	vst v63  }
0xe: {  	_ =	swait.ge [sflag:s9], $0x8000  }
0xf: {  	p0 =	por p1, p1;
	[sflag:s9] =	ssyncset.done $0x0  }
0x10: {  	s13 =	simm.s32 $0x40;
	s14 =	simm.s32 $0x0;
	[sflag:s9] =	ssyncadd.s32 $0xFFFF8000  }
.LBB2_3:
0x11: {  	p1 =	sne.s32 s13, $0x3FC0;
	[tilespmem:s14+$0x8000] =	vst v0;
	s14 =	smov.u32 s13;
	s13 =	sadd.s32 $0x40, s13  }
.Ltmp0:
0x12: {  	(pc) =	sbr.rel @p1 .LBB2_3-.Ltmp0, $2  }
0x13: {  	_ =	sdelay $0x2  }
0x14: {  	s14 =	sshra.s32 s14, $0x2  }
0x15: {  	[tilespmem:s14+$0x8000] =	vst v0;
	s14 =	simm.s32 $0x0;
	s13 =	simm.s32 $0x40  }
.LBB2_5:
0x16: {  	p2 =	sne.s32 s13, $0x1FFC0;
	v3 =	vld [tilespmem:s14+$0x0];
	_ =	sdelay $0x4  }
0x17: {  	v4 =	vshra.s32 v3, $0x1F  }
0x18: {  	v4 =	vor.u32 $0x80000000, v4  }
0x19: {  	v3 =	vxor.u32 v3, v4  }
0x1a: {  	v3 =	vshrl.u32 v3, $0x14  }
0x1b: {  	v3 =	vand.u32 $0xFF0, v3  }
0x1c: {  	v3 =	vor.u32 v1, v3  }
.Ltmp1:
0x1d: {  	(pc) =	sbr.rel @p2 .LBB2_5-.Ltmp1, $3  }
0x1e: {  	_ =	sdelay $0x1  }
0x1f: {  	s15 =	simm.s32 $0x8000  }
0x20: {  	s14 =	sshra.s32 s13, $0x2;
	s13 =	sadd.s32 $0x40, s13;
	p1 =	por $0x0, $0x0;
	[tilespmem:v3+s15+$0x0] =	vst.idx.add.s32.msk $0xffff, v2  }
0x21: {  	v3 =	vld [tilespmem:s14+$0x0];
	_ =	sdelay $0x4  }
0x22: {  	v4 =	vshra.s32 v3, $0x1F  }
0x23: {  	v4 =	vor.u32 $0x80000000, v4  }
0x24: {  	v3 =	vxor.u32 v3, v4  }
0x25: {  	v3 =	vshrl.u32 v3, $0x14  }
0x26: {  	v3 =	vand.u32 $0xFF0, v3  }
0x27: {  	v3 =	vor.u32 v1, v3  }
.Ltmp2:
0x28: {  	_ = 	snop;
	(pc) =	sbr.rel .LBB2_7-.Ltmp2, $3  }
0x29: {  	_ =	sdelay $0x1  }
0x2a: {  	s16 =	simm.s32 $0x0;
	s19 =	simm.s32 $0x0;
	s14 =	simm.s32 $0x0  }
0x2b: {  	s13 =	simm.s32 $0x0;
	p2 =	por $0x0, $0x0;
	s17 =	simm.s32 $0x0;
	[tilespmem:v3+s15+$0x0] =	vst.idx.add.s32.msk $0xffff, v2  }
.LBB2_8:
0x2c: {  	s13 =	smov.u32 @p3 s13;
	s14 =	smov.u32 @p3 s14  }
.LBB2_12:
0x2d: {  	s17 =	sadd.s32 $0x1, s17  }
0x2e: {  	p4 =	seq.s32 s17, $0x10  }
.Ltmp3:
0x2f: {  	_ = 	snop;
	(pc) =	sbr.rel @p4 .LBB2_13-.Ltmp3, $3  }
0x30: {  	_ =	sdelay $0x1  }
0x31: {  	p3 =	sgt.s32 s18, $0x6666;
	s15 =	sadd.s32 $0x100, s15  }
0x32: {  	s16 =	sadd.s32 $0x10, s16;
	s19 =	smov.u32 s18;
	p2 =	por p2, p3  }
.LBB2_7:
0x33: {  	s18 =	sshll.u32 s17, $0x8  }
0x34: {  	s18 =	sand.u32 $0x3FFFFF00, s18  }
0x35: {  	v3 =	vld [tilespmem:s18+$0x8000]  }
0x36: {  	v4 =	vld [tilespmem:s18+$0x8010]  }
0x37: {  	v5 =	vld [tilespmem:s18+$0x8020]  }
0x38: {  	v6 =	vld [tilespmem:s18+$0x8030]  }
0x39: {  	v7 =	vld [tilespmem:s18+$0x8040]  }
0x3a: {  	v8 =	vld [tilespmem:s18+$0x8050]  }
0x3b: {  	v54 =	vld [tilespmem:s18+$0x8060];
	v3 =	vadd.s32 v3, v4  }
0x3c: {  	v55 =	vld [tilespmem:s18+$0x8070];
	v3 =	vadd.s32 v3, v5  }
0x3d: {  	v56 =	vld [tilespmem:s18+$0x8080];
	v3 =	vadd.s32 v3, v6  }
0x3e: {  	v57 =	vld [tilespmem:s18+$0x8090];
	v3 =	vadd.s32 v3, v7  }
0x3f: {  	v58 =	vld [tilespmem:s18+$0x80A0];
	v3 =	vadd.s32 v3, v8  }
0x40: {  	v59 =	vld [tilespmem:s18+$0x80B0];
	v3 =	vadd.s32 v3, v54  }
0x41: {  	v60 =	vld [tilespmem:s18+$0x80C0];
	v3 =	vadd.s32 v3, v55  }
0x42: {  	v61 =	vld [tilespmem:s18+$0x80D0];
	v3 =	vadd.s32 v3, v56  }
0x43: {  	v62 =	vld [tilespmem:s18+$0x80E0];
	v3 =	vadd.s32 v3, v57  }
0x44: {  	v63 =	vld [tilespmem:s18+$0x80F0];
	v3 =	vadd.s32 v3, v58  }
0x45: {  	v3 =	vadd.s32 v3, v59  }
0x46: {  	v3 =	vadd.s32 v3, v60  }
0x47: {  	v3 =	vadd.s32 v3, v61  }
0x48: {  	v3 =	vadd.s32 v3, v62  }
0x49: {  	v3 =	vadd.s32 v3, v63  }
0x4a: {  	(xrf0) =	vadd.scan.msk.s32 $0xffff, v3;
	_ =	sdelay $0x5  }
0x4b: {  	v3, _, _ =	vpop (xrf0)  }
0x4c: {  	(v2sf) =	vpush v3, $0xF;
	_ =	sdelay $0xe  }
0x4d: {  	s31 =	spop (v2sf)  }
0x4e: {  	s18 =	sadd.s32 s19, s31  }
0x4f: {  	p3 =	slt.s32 s18, $0x6667  }
0x50: {  	s20 =	simm.s32 @!p3 $0x1;
	p4 =	por !p2, p3  }
0x51: {  	s20 =	simm.s32 @p4 $0x0  }
0x52: {  	p4 =	seq.s32 @!p3 s20, $0x1  }
0x53: {  	p4 =	por p3, p4  }
.Ltmp4:
0x54: {  	_ = 	snop;
	(pc) =	sbr.rel @p4 .LBB2_8-.Ltmp4, $1  }
0x55: {  	_ =	sdelay $0x3  }
0x56: {  	s20 =	sadd.s32 $0x0, s15  }
0x57: {  	v3 =	vld [tilespmem:s20+$0x0];
	_ =	sdelay $0x4  }
0x58: {  	(xrf0) =	vadd.scan.msk.s32 $0xffff, v3;
	_ =	sdelay $0x5  }
0x59: {  	s26 =	sadd.s32 $0x10, s15;
	v3, _, _ =	vpop (xrf0)  }
0x5a: {  	(v2sf) =	vpush v3, $0xF;
	v3 =	vld [tilespmem:s26+$0x0];
	_ =	sdelay $0x3  }
0x5b: {  	s28 =	sadd.s32 $0x20, s15  }
0x5c: {  	s29 =	sadd.s32 $0x30, s15;
	v4 =	vld [tilespmem:s28+$0x0];
	(xrf0) =	vadd.scan.msk.s32 $0xffff, v3  }
0x5d: {  	v5 =	vld [tilespmem:s29+$0x0];
	_ =	sdelay $0x3  }
0x5e: {  	(xrf0) =	vadd.scan.msk.s32 $0xffff, v4  }
0x5f: {  	(xrf0) =	vadd.scan.msk.s32 $0xffff, v5;
	v4, _, _ =	vpop (xrf0)  }
0x60: {  	(v2sf) =	vpush v4, $0xF;
	_ =	sdelay $0x3  }
0x61: {  	v4, _, _ =	vpop (xrf0)  }
0x62: {  	s31 =	spop (v2sf);
	(v2sf) =	vpush v4, $0xF;
	v4, _, _ =	vpop (xrf0)  }
0x63: {  	s30 =	sadd.s32 $0x40, s15;
	(v2sf) =	vpush v4, $0xF  }
0x64: {  	v3 =	vld [tilespmem:s30+$0x0];
	_ =	sdelay $0x3  }
0x65: {  	s20 =	sadd.s32 s19, s31  }
0x66: {  	p4 =	por !p1, !p1;
	s21 =	sadd.s32 $0x50, s15;
	(xrf0) =	vadd.scan.msk.s32 $0xffff, v3;
	p3 =	sgt.s32 s20, $0x6666  }
0x67: {  	s23 =	simm.s32 $0x180;
	v3 =	vld [tilespmem:s21+$0x0];
	s21 =	smov.u32 s16;
	p4 =	por !p3, !p4  }
0x68: {  	s22 =	smov.u32 s20;
	p5 =	por !p4, !p4;
	p4 =	por $0x0, $0x0  }
.LBB2_10:
0x69: {  	s24 =	sshra.s32 s23, $0x2;
	s25 =	spop (v2sf)  }
0x6a: {  	s14 =	smov.u32 @p5 s19;
	s13 =	smov.u32 @p5 s21;
	p6 =	sne.s32 s23, $0x3C0  }
.Ltmp5:
0x6b: {  	s19 =	sadd.s32 s24, s15;
	s20 =	sadd.s32 s20, s25;
	(pc) =	sbr.rel @p6 .LBB2_10-.Ltmp5, $4  }
0x6c: {  	s23 =	sadd.s32 $0x40, s23;
	p4 =	por p4, p3;
	(xrf0) =	vadd.scan.msk.s32 $0xffff, v3;
	v4, _, _ =	vpop (xrf0)  }
0x6d: {  	p5 =	por !p4, !p4;
	p3 =	sgt.s32 s20, $0x6666;
	v3 =	vld [tilespmem:s19+$0x0];
	(v2sf) =	vpush v4, $0xF;
	s19 =	smov.u32 s22  }
0x6e: {  	p5 =	por !p3, !p5;
	s22 =	smov.u32 s20  }
0x6f: {  	s21 =	sadd.s32 $0x1, s21;
	p5 =	por !p5, !p5  }
0x70: {  	_ =	sdelay $0x1  }
0x71: {  	(xrf0) =	vadd.scan.msk.s32 $0xffff, v3;
	_ =	sdelay $0x2  }
0x72: {  	v3, _, _ =	vpop (xrf0)  }
0x73: {  	(v2sf) =	vpush v3, $0xF;
	_ =	sdelay $0x1  }
0x74: {  	v3, _, _ =	vpop (xrf0)  }
0x75: {  	(v2sf) =	vpush v3, $0xF;
	_ =	sdelay $0x2  }
0x76: {  	s23 =	spop (v2sf);
	p3 =	por p4, p3;
	s14 =	smov.u32 @p5 s19  }
0x77: {  	s13 =	smov.u32 @p5 s21;
	s19 =	sadd.s32 $0x1, s21;
	s20 =	sadd.s32 s20, s23  }
0x78: {  	p4 =	por !p3, !p3;
	s28 =	spop (v2sf);
	p6 =	sgt.s32 s20, $0x6666  }
0x79: {  	s21 =	sadd.s32 s20, s28;
	p4 =	por !p6, !p4;
	p3 =	por p3, p6  }
0x7a: {  	p5 =	sgt.s32 s21, $0x6666;
	p4 =	por !p4, !p4;
	p6 =	por !p3, !p3  }
0x7b: {  	p3 =	por p3, p5;
	s14 =	smov.u32 @p4 s22;
	s13 =	smov.u32 @p4 s19  }
0x7c: {  	p4 =	por !p5, !p6;
	p5 =	por !p3, !p3;
	s29 =	spop (v2sf)  }
0x7d: {  	s19 =	sadd.s32 $0x1, s19;
	p4 =	por !p4, !p4;
	s22 =	sadd.s32 s21, s29  }
0x7e: {  	s14 =	smov.u32 @p4 s20;
	s13 =	smov.u32 @p4 s19;
	p6 =	sgt.s32 s22, $0x6666  }
0x7f: {  	s19 =	sadd.s32 $0x1, s19;
	p5 =	por !p6, !p5;
	s30 =	spop (v2sf)  }
0x80: {  	p3 =	por p3, p6;
	p4 =	por !p5, !p5;
	s20 =	sadd.s32 s22, s30  }
0x81: {  	p5 =	por !p3, !p3;
	s14 =	smov.u32 @p4 s21;
	p6 =	sgt.s32 s20, $0x6666  }
0x82: {  	s13 =	smov.u32 @p4 s19;
	p4 =	por !p6, !p5;
	s31 =	spop (v2sf)  }
.Ltmp6:
0x83: {  	p3 =	por p3, p6;
	s21 =	sadd.s32 s20, s31;
	(pc) =	sbr.rel .LBB2_12-.Ltmp6, $4  }
0x84: {  	p4 =	por !p4, !p4;
	p3 =	por !p3, !p3;
	p6 =	sgt.s32 s21, $0x6666  }
0x85: {  	s19 =	sadd.s32 $0x1, s19;
	s14 =	smov.u32 @p4 s22;
	p3 =	por !p6, !p3  }
0x86: {  	s13 =	smov.u32 @p4 s19;
	s19 =	sadd.s32 $0x1, s19;
	p3 =	por !p3, !p3  }
0x87: {  	s14 =	smov.u32 @p3 s20;
	s13 =	smov.u32 @p3 s19  }
.LBB2_13:
0x88: {  	s15 =	simm.s32 $0x40;
	s16 =	simm.s32 $0x0  }
.LBB2_14:
0x89: {  	p1 =	seq.s32 s15, $0x3FC0;
	[tilespmem:s16+$0x8000] =	vst v0;
	s16 =	smov.u32 s15;
	s15 =	sadd.s32 $0x40, s15  }
.Ltmp7:
0x8a: {  	(pc) =	sbr.rel @!p1 .LBB2_14-.Ltmp7, $2  }
0x8b: {  	_ =	sdelay $0x2  }
0x8c: {  	s16 =	sshra.s32 s16, $0x2  }
0x8d: {  	[tilespmem:s16+$0x8000] =	vst v0;
	v3 =	vmov s13;
	s16 =	simm.s32 $0x0;
	s15 =	simm.s32 $0x40  }
.LBB2_16:
0x8e: {  	p1 =	sne.s32 s15, $0x1FFC0;
	v4 =	vld [tilespmem:s16+$0x0];
	_ =	sdelay $0x4  }
0x8f: {  	v5 =	vshra.s32 v4, $0x1F  }
0x90: {  	v5 =	vor.u32 $0x80000000, v5  }
0x91: {  	v4 =	vxor.u32 v4, v5  }
0x92: {  	v5 =	vshrl.u32 v4, $0xC;
	v4 =	vshrl.u32 v4, $0x18  }
0x93: {  	vm0 =	veq.s32 v4, v3;
	v4 =	vand.u32 $0xFF0, v5  }
0x94: {  	v4 =	vor.u32 v1, v4  }
.Ltmp8:
0x95: {  	(pc) =	sbr.rel @p1 .LBB2_16-.Ltmp8, $2  }
0x96: {  	_ =	sdelay $0x2  }
0x97: {  	s16 =	sshra.s32 s15, $0x2;
	s15 =	sadd.s32 $0x40, s15;
	[tilespmem:v4+s10+$0x0] =	vst.idx.add.s32.msk vm0, v2  }
0x98: {  	v4 =	vld [tilespmem:s16+$0x0];
	_ =	sdelay $0x4  }
0x99: {  	v5 =	vshra.s32 v4, $0x1F  }
0x9a: {  	v5 =	vor.u32 $0x80000000, v5  }
0x9b: {  	v4 =	vxor.u32 v4, v5  }
0x9c: {  	v5 =	vshrl.u32 v4, $0xC;
	v4 =	vshrl.u32 v4, $0x18  }
0x9d: {  	vm0 =	veq.s32 v4, v3;
	v3 =	vand.u32 $0xFF0, v5  }
0x9e: {  	v3 =	vor.u32 v1, v3  }
.Ltmp9:
0x9f: {  	_ = 	snop;
	(pc) =	sbr.rel .LBB2_18-.Ltmp9, $4  }
0xa0: {  	_ = 	snop  }
0xa1: {  	s14 =	ssub.s32 $0x6666, s14;
	p1 =	por $0x0, $0x0;
	s17 =	simm.s32 $0x8000  }
0xa2: {  	s18 =	simm.s32 $0x0;
	s21 =	simm.s32 $0x0;
	s16 =	simm.s32 $0x0  }
0xa3: {  	s15 =	simm.s32 $0x0;
	p2 =	por $0x0, $0x0;
	s19 =	simm.s32 $0x0;
	[tilespmem:v3+s10+$0x0] =	vst.idx.add.s32.msk vm0, v2  }
.LBB2_19:
0xa4: {  	s15 =	smov.u32 @p3 s15;
	s16 =	smov.u32 @p3 s16  }
.LBB2_23:
0xa5: {  	s19 =	sadd.s32 $0x1, s19  }
0xa6: {  	p4 =	seq.s32 s19, $0x10  }
.Ltmp10:
0xa7: {  	_ = 	snop;
	(pc) =	sbr.rel @p4 .LBB2_24-.Ltmp10, $3  }
0xa8: {  	_ =	sdelay $0x1  }
0xa9: {  	p3 =	sgt.s32 s20, s14;
	s17 =	sadd.s32 $0x100, s17  }
0xaa: {  	s18 =	sadd.s32 $0x10, s18;
	s21 =	smov.u32 s20;
	p2 =	por p2, p3  }
.LBB2_18:
0xab: {  	s20 =	sshll.u32 s19, $0x8  }
0xac: {  	s20 =	sand.u32 $0x3FFFFF00, s20  }
0xad: {  	v3 =	vld [tilespmem:s20+$0x8000]  }
0xae: {  	v4 =	vld [tilespmem:s20+$0x8010]  }
0xaf: {  	v5 =	vld [tilespmem:s20+$0x8020]  }
0xb0: {  	v6 =	vld [tilespmem:s20+$0x8030]  }
0xb1: {  	v7 =	vld [tilespmem:s20+$0x8040]  }
0xb2: {  	v8 =	vld [tilespmem:s20+$0x8050]  }
0xb3: {  	v54 =	vld [tilespmem:s20+$0x8060];
	v3 =	vadd.s32 v3, v4  }
0xb4: {  	v55 =	vld [tilespmem:s20+$0x8070];
	v3 =	vadd.s32 v3, v5  }
0xb5: {  	v56 =	vld [tilespmem:s20+$0x8080];
	v3 =	vadd.s32 v3, v6  }
0xb6: {  	v57 =	vld [tilespmem:s20+$0x8090];
	v3 =	vadd.s32 v3, v7  }
0xb7: {  	v58 =	vld [tilespmem:s20+$0x80A0];
	v3 =	vadd.s32 v3, v8  }
0xb8: {  	v59 =	vld [tilespmem:s20+$0x80B0];
	v3 =	vadd.s32 v3, v54  }
0xb9: {  	v60 =	vld [tilespmem:s20+$0x80C0];
	v3 =	vadd.s32 v3, v55  }
0xba: {  	v61 =	vld [tilespmem:s20+$0x80D0];
	v3 =	vadd.s32 v3, v56  }
0xbb: {  	v62 =	vld [tilespmem:s20+$0x80E0];
	v3 =	vadd.s32 v3, v57  }
0xbc: {  	v63 =	vld [tilespmem:s20+$0x80F0];
	v3 =	vadd.s32 v3, v58  }
0xbd: {  	v3 =	vadd.s32 v3, v59  }
0xbe: {  	v3 =	vadd.s32 v3, v60  }
0xbf: {  	v3 =	vadd.s32 v3, v61  }
0xc0: {  	v3 =	vadd.s32 v3, v62  }
0xc1: {  	v3 =	vadd.s32 v3, v63  }
0xc2: {  	(xrf0) =	vadd.scan.msk.s32 $0xffff, v3;
	_ =	sdelay $0x5  }
0xc3: {  	v3, _, _ =	vpop (xrf0)  }
0xc4: {  	(v2sf) =	vpush v3, $0xF;
	_ =	sdelay $0xe  }
0xc5: {  	s31 =	spop (v2sf)  }
0xc6: {  	s20 =	sadd.s32 s21, s31  }
0xc7: {  	p3 =	sle.s32 s20, s14  }
0xc8: {  	s22 =	simm.s32 @!p3 $0x1;
	p4 =	por !p2, p3  }
0xc9: {  	s22 =	simm.s32 @p4 $0x0  }
0xca: {  	p4 =	seq.s32 @!p3 s22, $0x1  }
0xcb: {  	p4 =	por p3, p4  }
.Ltmp11:
0xcc: {  	_ = 	snop;
	(pc) =	sbr.rel @p4 .LBB2_19-.Ltmp11, $1  }
0xcd: {  	_ =	sdelay $0x3  }
0xce: {  	s22 =	sadd.s32 $0x0, s17  }
0xcf: {  	v3 =	vld [tilespmem:s22+$0x0];
	_ =	sdelay $0x4  }
0xd0: {  	(xrf0) =	vadd.scan.msk.s32 $0xffff, v3;
	_ =	sdelay $0x5  }
0xd1: {  	s26 =	sadd.s32 $0x10, s17;
	v3, _, _ =	vpop (xrf0)  }
0xd2: {  	(v2sf) =	vpush v3, $0xF;
	v3 =	vld [tilespmem:s26+$0x0];
	_ =	sdelay $0x3  }
0xd3: {  	s28 =	sadd.s32 $0x20, s17  }
0xd4: {  	s29 =	sadd.s32 $0x30, s17;
	v4 =	vld [tilespmem:s28+$0x0];
	(xrf0) =	vadd.scan.msk.s32 $0xffff, v3  }
0xd5: {  	v5 =	vld [tilespmem:s29+$0x0];
	_ =	sdelay $0x3  }
0xd6: {  	(xrf0) =	vadd.scan.msk.s32 $0xffff, v4  }
0xd7: {  	(xrf0) =	vadd.scan.msk.s32 $0xffff, v5;
	v4, _, _ =	vpop (xrf0)  }
0xd8: {  	(v2sf) =	vpush v4, $0xF;
	_ =	sdelay $0x3  }
0xd9: {  	v4, _, _ =	vpop (xrf0)  }
0xda: {  	s31 =	spop (v2sf);
	(v2sf) =	vpush v4, $0xF;
	v4, _, _ =	vpop (xrf0)  }
0xdb: {  	s30 =	sadd.s32 $0x40, s17;
	(v2sf) =	vpush v4, $0xF  }
0xdc: {  	v3 =	vld [tilespmem:s30+$0x0];
	_ =	sdelay $0x3  }
0xdd: {  	s22 =	sadd.s32 s21, s31  }
0xde: {  	p4 =	por !p1, !p1;
	s23 =	sadd.s32 $0x50, s17;
	(xrf0) =	vadd.scan.msk.s32 $0xffff, v3;
	p3 =	sgt.s32 s22, s14  }
0xdf: {  	s25 =	simm.s32 $0x180;
	v3 =	vld [tilespmem:s23+$0x0];
	s23 =	smov.u32 s18;
	p4 =	por !p3, !p4  }
0xe0: {  	s24 =	smov.u32 s22;
	p5 =	por !p4, !p4;
	p4 =	por $0x0, $0x0  }
.LBB2_21:
0xe1: {  	s26 =	sshra.s32 s25, $0x2;
	s28 =	spop (v2sf)  }
0xe2: {  	s16 =	smov.u32 @p5 s21;
	s15 =	smov.u32 @p5 s23;
	p6 =	sne.s32 s25, $0x3C0  }
.Ltmp12:
0xe3: {  	s21 =	sadd.s32 s26, s17;
	s22 =	sadd.s32 s22, s28;
	(pc) =	sbr.rel @p6 .LBB2_21-.Ltmp12, $4  }
0xe4: {  	s25 =	sadd.s32 $0x40, s25;
	p4 =	por p4, p3;
	(xrf0) =	vadd.scan.msk.s32 $0xffff, v3;
	v4, _, _ =	vpop (xrf0)  }
0xe5: {  	p5 =	por !p4, !p4;
	p3 =	sgt.s32 s22, s14;
	v3 =	vld [tilespmem:s21+$0x0];
	(v2sf) =	vpush v4, $0xF;
	s21 =	smov.u32 s24  }
0xe6: {  	p5 =	por !p3, !p5;
	s24 =	smov.u32 s22  }
0xe7: {  	s23 =	sadd.s32 $0x1, s23;
	p5 =	por !p5, !p5  }
0xe8: {  	_ =	sdelay $0x1  }
0xe9: {  	(xrf0) =	vadd.scan.msk.s32 $0xffff, v3;
	_ =	sdelay $0x2  }
0xea: {  	v3, _, _ =	vpop (xrf0)  }
0xeb: {  	(v2sf) =	vpush v3, $0xF;
	_ =	sdelay $0x1  }
0xec: {  	v3, _, _ =	vpop (xrf0)  }
0xed: {  	(v2sf) =	vpush v3, $0xF;
	_ =	sdelay $0x2  }
0xee: {  	s25 =	spop (v2sf);
	p3 =	por p4, p3;
	s16 =	smov.u32 @p5 s21  }
0xef: {  	s15 =	smov.u32 @p5 s23;
	s21 =	sadd.s32 $0x1, s23;
	s22 =	sadd.s32 s22, s25  }
0xf0: {  	p4 =	por !p3, !p3;
	s28 =	spop (v2sf);
	p6 =	sgt.s32 s22, s14  }
0xf1: {  	s23 =	sadd.s32 s22, s28;
	p4 =	por !p6, !p4;
	p3 =	por p3, p6  }
0xf2: {  	p5 =	sgt.s32 s23, s14;
	p4 =	por !p4, !p4;
	p6 =	por !p3, !p3  }
0xf3: {  	p3 =	por p3, p5;
	s16 =	smov.u32 @p4 s24;
	s15 =	smov.u32 @p4 s21  }
0xf4: {  	p4 =	por !p5, !p6;
	p5 =	por !p3, !p3;
	s29 =	spop (v2sf)  }
0xf5: {  	s21 =	sadd.s32 $0x1, s21;
	p4 =	por !p4, !p4;
	s24 =	sadd.s32 s23, s29  }
0xf6: {  	s16 =	smov.u32 @p4 s22;
	s15 =	smov.u32 @p4 s21;
	p6 =	sgt.s32 s24, s14  }
0xf7: {  	s21 =	sadd.s32 $0x1, s21;
	p5 =	por !p6, !p5;
	s30 =	spop (v2sf)  }
0xf8: {  	p3 =	por p3, p6;
	p4 =	por !p5, !p5;
	s22 =	sadd.s32 s24, s30  }
0xf9: {  	p5 =	por !p3, !p3;
	s16 =	smov.u32 @p4 s23;
	p6 =	sgt.s32 s22, s14  }
0xfa: {  	s15 =	smov.u32 @p4 s21;
	p4 =	por !p6, !p5;
	s31 =	spop (v2sf)  }
.Ltmp13:
0xfb: {  	p3 =	por p3, p6;
	s23 =	sadd.s32 s22, s31;
	(pc) =	sbr.rel .LBB2_23-.Ltmp13, $4  }
0xfc: {  	p4 =	por !p4, !p4;
	p3 =	por !p3, !p3;
	p6 =	sgt.s32 s23, s14  }
0xfd: {  	s21 =	sadd.s32 $0x1, s21;
	s16 =	smov.u32 @p4 s24;
	p3 =	por !p6, !p3  }
0xfe: {  	s15 =	smov.u32 @p4 s21;
	s21 =	sadd.s32 $0x1, s21;
	p3 =	por !p3, !p3  }
0xff: {  	s16 =	smov.u32 @p3 s22;
	s15 =	smov.u32 @p3 s21  }
.LBB2_24:
0x100: {  	s17 =	simm.s32 $0x40;
	s18 =	simm.s32 $0x0  }
.LBB2_25:
0x101: {  	p1 =	seq.s32 s17, $0x3FC0;
	[tilespmem:s18+$0x8000] =	vst v0;
	s18 =	smov.u32 s17;
	s17 =	sadd.s32 $0x40, s17  }
.Ltmp14:
0x102: {  	(pc) =	sbr.rel @!p1 .LBB2_25-.Ltmp14, $2  }
0x103: {  	_ =	sdelay $0x2  }
0x104: {  	s18 =	sshra.s32 s18, $0x2  }
0x105: {  	s13 =	sshll.u32 s13, $0x8  }
0x106: {  	s15 =	sor.u32 s13, s15  }
0x107: {  	[tilespmem:s18+$0x8000] =	vst v0;
	s17 =	simm.s32 $0x0;
	s13 =	simm.s32 $0x40;
	v3 =	vmov s15  }
.LBB2_27:
0x108: {  	p1 =	sne.s32 s13, $0x1FFC0;
	v4 =	vld [tilespmem:s17+$0x0];
	_ =	sdelay $0x4  }
0x109: {  	v5 =	vshra.s32 v4, $0x1F  }
0x10a: {  	v5 =	vor.u32 $0x80000000, v5  }
0x10b: {  	v4 =	vxor.u32 v4, v5  }
0x10c: {  	v5 =	vshrl.u32 v4, $0x4;
	v4 =	vshrl.u32 v4, $0x10  }
0x10d: {  	vm0 =	veq.s32 v4, v3;
	v4 =	vand.u32 $0xFF0, v5  }
0x10e: {  	v4 =	vor.u32 v1, v4  }
.Ltmp15:
0x10f: {  	(pc) =	sbr.rel @p1 .LBB2_27-.Ltmp15, $2  }
0x110: {  	_ =	sdelay $0x2  }
0x111: {  	s17 =	sshra.s32 s13, $0x2;
	s13 =	sadd.s32 $0x40, s13;
	[tilespmem:v4+s10+$0x0] =	vst.idx.add.s32.msk vm0, v2  }
0x112: {  	v4 =	vld [tilespmem:s17+$0x0];
	_ =	sdelay $0x4  }
0x113: {  	v5 =	vshra.s32 v4, $0x1F  }
0x114: {  	v5 =	vor.u32 $0x80000000, v5  }
0x115: {  	v4 =	vxor.u32 v4, v5  }
0x116: {  	v5 =	vshrl.u32 v4, $0x4;
	v4 =	vshrl.u32 v4, $0x10  }
0x117: {  	vm0 =	veq.s32 v4, v3;
	v3 =	vand.u32 $0xFF0, v5  }
0x118: {  	v3 =	vor.u32 v1, v3  }
.Ltmp16:
0x119: {  	_ = 	snop;
	(pc) =	sbr.rel .LBB2_29-.Ltmp16, $4  }
0x11a: {  	_ = 	snop  }
0x11b: {  	s13 =	ssub.s32 s14, s16;
	p1 =	por $0x0, $0x0;
	s17 =	simm.s32 $0x8000  }
0x11c: {  	s18 =	simm.s32 $0x0;
	s21 =	simm.s32 $0x0;
	s14 =	simm.s32 $0x0  }
0x11d: {  	s16 =	simm.s32 $0x0;
	p2 =	por $0x0, $0x0;
	s19 =	simm.s32 $0x0;
	[tilespmem:v3+s10+$0x0] =	vst.idx.add.s32.msk vm0, v2  }
.LBB2_30:
0x11e: {  	s16 =	smov.u32 @p3 s16;
	s14 =	smov.u32 @p3 s14  }
.LBB2_34:
0x11f: {  	s19 =	sadd.s32 $0x1, s19  }
0x120: {  	p4 =	seq.s32 s19, $0x10  }
.Ltmp17:
0x121: {  	_ = 	snop;
	(pc) =	sbr.rel @p4 .LBB2_35-.Ltmp17, $3  }
0x122: {  	_ =	sdelay $0x1  }
0x123: {  	p3 =	sgt.s32 s20, s13;
	s17 =	sadd.s32 $0x100, s17  }
0x124: {  	s18 =	sadd.s32 $0x10, s18;
	s21 =	smov.u32 s20;
	p2 =	por p2, p3  }
.LBB2_29:
0x125: {  	s20 =	sshll.u32 s19, $0x8  }
0x126: {  	s20 =	sand.u32 $0x3FFFFF00, s20  }
0x127: {  	v3 =	vld [tilespmem:s20+$0x8000]  }
0x128: {  	v4 =	vld [tilespmem:s20+$0x8010]  }
0x129: {  	v5 =	vld [tilespmem:s20+$0x8020]  }
0x12a: {  	v6 =	vld [tilespmem:s20+$0x8030]  }
0x12b: {  	v7 =	vld [tilespmem:s20+$0x8040]  }
0x12c: {  	v8 =	vld [tilespmem:s20+$0x8050]  }
0x12d: {  	v54 =	vld [tilespmem:s20+$0x8060];
	v3 =	vadd.s32 v3, v4  }
0x12e: {  	v55 =	vld [tilespmem:s20+$0x8070];
	v3 =	vadd.s32 v3, v5  }
0x12f: {  	v56 =	vld [tilespmem:s20+$0x8080];
	v3 =	vadd.s32 v3, v6  }
0x130: {  	v57 =	vld [tilespmem:s20+$0x8090];
	v3 =	vadd.s32 v3, v7  }
0x131: {  	v58 =	vld [tilespmem:s20+$0x80A0];
	v3 =	vadd.s32 v3, v8  }
0x132: {  	v59 =	vld [tilespmem:s20+$0x80B0];
	v3 =	vadd.s32 v3, v54  }
0x133: {  	v60 =	vld [tilespmem:s20+$0x80C0];
	v3 =	vadd.s32 v3, v55  }
0x134: {  	v61 =	vld [tilespmem:s20+$0x80D0];
	v3 =	vadd.s32 v3, v56  }
0x135: {  	v62 =	vld [tilespmem:s20+$0x80E0];
	v3 =	vadd.s32 v3, v57  }
0x136: {  	v63 =	vld [tilespmem:s20+$0x80F0];
	v3 =	vadd.s32 v3, v58  }
0x137: {  	v3 =	vadd.s32 v3, v59  }
0x138: {  	v3 =	vadd.s32 v3, v60  }
0x139: {  	v3 =	vadd.s32 v3, v61  }
0x13a: {  	v3 =	vadd.s32 v3, v62  }
0x13b: {  	v3 =	vadd.s32 v3, v63  }
0x13c: {  	(xrf0) =	vadd.scan.msk.s32 $0xffff, v3;
	_ =	sdelay $0x5  }
0x13d: {  	v3, _, _ =	vpop (xrf0)  }
0x13e: {  	(v2sf) =	vpush v3, $0xF;
	_ =	sdelay $0xe  }
0x13f: {  	s31 =	spop (v2sf)  }
0x140: {  	s20 =	sadd.s32 s21, s31  }
0x141: {  	p3 =	sle.s32 s20, s13  }
0x142: {  	s22 =	simm.s32 @!p3 $0x1;
	p4 =	por !p2, p3  }
0x143: {  	s22 =	simm.s32 @p4 $0x0  }
0x144: {  	p4 =	seq.s32 @!p3 s22, $0x1  }
0x145: {  	p4 =	por p3, p4  }
.Ltmp18:
0x146: {  	_ = 	snop;
	(pc) =	sbr.rel @p4 .LBB2_30-.Ltmp18, $1  }
0x147: {  	_ =	sdelay $0x3  }
0x148: {  	s22 =	sadd.s32 $0x0, s17  }
0x149: {  	v3 =	vld [tilespmem:s22+$0x0];
	_ =	sdelay $0x4  }
0x14a: {  	(xrf0) =	vadd.scan.msk.s32 $0xffff, v3;
	_ =	sdelay $0x5  }
0x14b: {  	s26 =	sadd.s32 $0x10, s17;
	v3, _, _ =	vpop (xrf0)  }
0x14c: {  	(v2sf) =	vpush v3, $0xF;
	v3 =	vld [tilespmem:s26+$0x0];
	_ =	sdelay $0x3  }
0x14d: {  	s28 =	sadd.s32 $0x20, s17  }
0x14e: {  	s29 =	sadd.s32 $0x30, s17;
	v4 =	vld [tilespmem:s28+$0x0];
	(xrf0) =	vadd.scan.msk.s32 $0xffff, v3  }
0x14f: {  	v5 =	vld [tilespmem:s29+$0x0];
	_ =	sdelay $0x3  }
0x150: {  	(xrf0) =	vadd.scan.msk.s32 $0xffff, v4  }
0x151: {  	(xrf0) =	vadd.scan.msk.s32 $0xffff, v5;
	v4, _, _ =	vpop (xrf0)  }
0x152: {  	(v2sf) =	vpush v4, $0xF;
	_ =	sdelay $0x3  }
0x153: {  	v4, _, _ =	vpop (xrf0)  }
0x154: {  	s31 =	spop (v2sf);
	(v2sf) =	vpush v4, $0xF;
	v4, _, _ =	vpop (xrf0)  }
0x155: {  	s30 =	sadd.s32 $0x40, s17;
	(v2sf) =	vpush v4, $0xF  }
0x156: {  	v3 =	vld [tilespmem:s30+$0x0];
	_ =	sdelay $0x3  }
0x157: {  	s22 =	sadd.s32 s21, s31  }
0x158: {  	p4 =	por !p1, !p1;
	s23 =	sadd.s32 $0x50, s17;
	(xrf0) =	vadd.scan.msk.s32 $0xffff, v3;
	p3 =	sgt.s32 s22, s13  }
0x159: {  	s25 =	simm.s32 $0x180;
	v3 =	vld [tilespmem:s23+$0x0];
	s23 =	smov.u32 s18;
	p4 =	por !p3, !p4  }
0x15a: {  	s24 =	smov.u32 s22;
	p5 =	por !p4, !p4;
	p4 =	por $0x0, $0x0  }
.LBB2_32:
0x15b: {  	s26 =	sshra.s32 s25, $0x2;
	s28 =	spop (v2sf)  }
0x15c: {  	s14 =	smov.u32 @p5 s21;
	s16 =	smov.u32 @p5 s23;
	p6 =	sne.s32 s25, $0x3C0  }
.Ltmp19:
0x15d: {  	s21 =	sadd.s32 s26, s17;
	s22 =	sadd.s32 s22, s28;
	(pc) =	sbr.rel @p6 .LBB2_32-.Ltmp19, $4  }
0x15e: {  	s25 =	sadd.s32 $0x40, s25;
	p4 =	por p4, p3;
	(xrf0) =	vadd.scan.msk.s32 $0xffff, v3;
	v4, _, _ =	vpop (xrf0)  }
0x15f: {  	p5 =	por !p4, !p4;
	p3 =	sgt.s32 s22, s13;
	v3 =	vld [tilespmem:s21+$0x0];
	(v2sf) =	vpush v4, $0xF;
	s21 =	smov.u32 s24  }
0x160: {  	p5 =	por !p3, !p5;
	s24 =	smov.u32 s22  }
0x161: {  	s23 =	sadd.s32 $0x1, s23;
	p5 =	por !p5, !p5  }
0x162: {  	_ =	sdelay $0x1  }
0x163: {  	(xrf0) =	vadd.scan.msk.s32 $0xffff, v3;
	_ =	sdelay $0x2  }
0x164: {  	v3, _, _ =	vpop (xrf0)  }
0x165: {  	(v2sf) =	vpush v3, $0xF;
	_ =	sdelay $0x1  }
0x166: {  	v3, _, _ =	vpop (xrf0)  }
0x167: {  	(v2sf) =	vpush v3, $0xF;
	_ =	sdelay $0x2  }
0x168: {  	s25 =	spop (v2sf);
	p3 =	por p4, p3;
	s14 =	smov.u32 @p5 s21  }
0x169: {  	s16 =	smov.u32 @p5 s23;
	s21 =	sadd.s32 $0x1, s23;
	s22 =	sadd.s32 s22, s25  }
0x16a: {  	p4 =	por !p3, !p3;
	s28 =	spop (v2sf);
	p6 =	sgt.s32 s22, s13  }
0x16b: {  	s23 =	sadd.s32 s22, s28;
	p4 =	por !p6, !p4;
	p3 =	por p3, p6  }
0x16c: {  	p5 =	sgt.s32 s23, s13;
	p4 =	por !p4, !p4;
	p6 =	por !p3, !p3  }
0x16d: {  	p3 =	por p3, p5;
	s14 =	smov.u32 @p4 s24;
	s16 =	smov.u32 @p4 s21  }
0x16e: {  	p4 =	por !p5, !p6;
	p5 =	por !p3, !p3;
	s29 =	spop (v2sf)  }
0x16f: {  	s21 =	sadd.s32 $0x1, s21;
	p4 =	por !p4, !p4;
	s24 =	sadd.s32 s23, s29  }
0x170: {  	s14 =	smov.u32 @p4 s22;
	s16 =	smov.u32 @p4 s21;
	p6 =	sgt.s32 s24, s13  }
0x171: {  	s21 =	sadd.s32 $0x1, s21;
	p5 =	por !p6, !p5;
	s30 =	spop (v2sf)  }
0x172: {  	p3 =	por p3, p6;
	p4 =	por !p5, !p5;
	s22 =	sadd.s32 s24, s30  }
0x173: {  	p5 =	por !p3, !p3;
	s14 =	smov.u32 @p4 s23;
	p6 =	sgt.s32 s22, s13  }
0x174: {  	s16 =	smov.u32 @p4 s21;
	p4 =	por !p6, !p5;
	s31 =	spop (v2sf)  }
.Ltmp20:
0x175: {  	p3 =	por p3, p6;
	s23 =	sadd.s32 s22, s31;
	(pc) =	sbr.rel .LBB2_34-.Ltmp20, $4  }
0x176: {  	p4 =	por !p4, !p4;
	p3 =	por !p3, !p3;
	p6 =	sgt.s32 s23, s13  }
0x177: {  	s21 =	sadd.s32 $0x1, s21;
	s14 =	smov.u32 @p4 s24;
	p3 =	por !p6, !p3  }
0x178: {  	s16 =	smov.u32 @p4 s21;
	s21 =	sadd.s32 $0x1, s21;
	p3 =	por !p3, !p3  }
0x179: {  	s14 =	smov.u32 @p3 s22;
	s16 =	smov.u32 @p3 s21  }
.LBB2_35:
0x17a: {  	s17 =	simm.s32 $0x40;
	s18 =	simm.s32 $0x0  }
.LBB2_36:
0x17b: {  	p1 =	seq.s32 s17, $0x3FC0;
	[tilespmem:s18+$0x8000] =	vst v0;
	s18 =	smov.u32 s17;
	s17 =	sadd.s32 $0x40, s17  }
.Ltmp21:
0x17c: {  	(pc) =	sbr.rel @!p1 .LBB2_36-.Ltmp21, $2  }
0x17d: {  	_ =	sdelay $0x2  }
0x17e: {  	s18 =	sshra.s32 s18, $0x2  }
0x17f: {  	s15 =	sshll.u32 s15, $0x8  }
0x180: {  	s15 =	sor.u32 s15, s16  }
0x181: {  	[tilespmem:s18+$0x8000] =	vst v0;
	s17 =	simm.s32 $0x0;
	s16 =	simm.s32 $0x40;
	v3 =	vmov s15  }
.LBB2_38:
0x182: {  	p1 =	sne.s32 s16, $0x1FFC0;
	v4 =	vld [tilespmem:s17+$0x0];
	_ =	sdelay $0x4  }
0x183: {  	v5 =	vshra.s32 v4, $0x1F  }
0x184: {  	v5 =	vor.u32 $0x80000000, v5  }
0x185: {  	v4 =	vxor.u32 v4, v5  }
0x186: {  	v5 =	vshll.u32 v4, $0x4;
	v4 =	vshrl.u32 v4, $0x8  }
0x187: {  	v5 =	vor.u32 v1, v5;
	vm0 =	veq.s32 v4, v3  }
0x188: {  	v4 =	vand.u32 $0xFFF, v5  }
.Ltmp22:
0x189: {  	(pc) =	sbr.rel @p1 .LBB2_38-.Ltmp22, $2  }
0x18a: {  	_ =	sdelay $0x2  }
0x18b: {  	s17 =	sshra.s32 s16, $0x2;
	s16 =	sadd.s32 $0x40, s16;
	[tilespmem:v4+s10+$0x0] =	vst.idx.add.s32.msk vm0, v2  }
0x18c: {  	v4 =	vld [tilespmem:s17+$0x0];
	_ =	sdelay $0x4  }
0x18d: {  	v5 =	vshra.s32 v4, $0x1F  }
0x18e: {  	v5 =	vor.u32 $0x80000000, v5  }
0x18f: {  	v4 =	vxor.u32 v4, v5  }
0x190: {  	v5 =	vshll.u32 v4, $0x4;
	v4 =	vshrl.u32 v4, $0x8  }
0x191: {  	v5 =	vor.u32 v1, v5;
	vm0 =	veq.s32 v4, v3  }
0x192: {  	v3 =	vand.u32 $0xFFF, v5  }
.Ltmp23:
0x193: {  	_ = 	snop;
	(pc) =	sbr.rel .LBB2_40-.Ltmp23, $4  }
0x194: {  	_ = 	snop  }
0x195: {  	s13 =	ssub.s32 s13, s14;
	p1 =	por $0x0, $0x0;
	s14 =	simm.s32 $0x8000  }
0x196: {  	s16 =	simm.s32 $0x0;
	s17 =	simm.s32 $0x0;
	s21 =	simm.s32 $0x0  }
0x197: {  	s18 =	simm.s32 $0x0;
	p2 =	por $0x0, $0x0;
	s19 =	simm.s32 $0x0;
	[tilespmem:v3+s10+$0x0] =	vst.idx.add.s32.msk vm0, v2  }
.LBB2_41:
0x198: {  	s18 =	smov.u32 @p3 s18  }
.LBB2_45:
0x199: {  	s19 =	sadd.s32 $0x1, s19  }
0x19a: {  	p4 =	sne.s32 s19, $0x10  }
.Ltmp24:
0x19b: {  	_ = 	snop;
	(pc) =	sbr.rel @!p4 .LBB2_46-.Ltmp24, $3  }
0x19c: {  	_ =	sdelay $0x1  }
0x19d: {  	p3 =	sgt.s32 s20, s13;
	s14 =	sadd.s32 $0x100, s14  }
0x19e: {  	s17 =	sadd.s32 $0x10, s17;
	s21 =	smov.u32 s20;
	p2 =	por p2, p3  }
.LBB2_40:
0x19f: {  	s20 =	sshll.u32 s19, $0x8  }
0x1a0: {  	s20 =	sand.u32 $0x3FFFFF00, s20  }
0x1a1: {  	v3 =	vld [tilespmem:s20+$0x8000]  }
0x1a2: {  	v4 =	vld [tilespmem:s20+$0x8010]  }
0x1a3: {  	v5 =	vld [tilespmem:s20+$0x8020]  }
0x1a4: {  	v6 =	vld [tilespmem:s20+$0x8030]  }
0x1a5: {  	v7 =	vld [tilespmem:s20+$0x8040]  }
0x1a6: {  	v8 =	vld [tilespmem:s20+$0x8050]  }
0x1a7: {  	v54 =	vld [tilespmem:s20+$0x8060];
	v3 =	vadd.s32 v3, v4  }
0x1a8: {  	v55 =	vld [tilespmem:s20+$0x8070];
	v3 =	vadd.s32 v3, v5  }
0x1a9: {  	v56 =	vld [tilespmem:s20+$0x8080];
	v3 =	vadd.s32 v3, v6  }
0x1aa: {  	v57 =	vld [tilespmem:s20+$0x8090];
	v3 =	vadd.s32 v3, v7  }
0x1ab: {  	v58 =	vld [tilespmem:s20+$0x80A0];
	v3 =	vadd.s32 v3, v8  }
0x1ac: {  	v59 =	vld [tilespmem:s20+$0x80B0];
	v3 =	vadd.s32 v3, v54  }
0x1ad: {  	v60 =	vld [tilespmem:s20+$0x80C0];
	v3 =	vadd.s32 v3, v55  }
0x1ae: {  	v61 =	vld [tilespmem:s20+$0x80D0];
	v3 =	vadd.s32 v3, v56  }
0x1af: {  	v62 =	vld [tilespmem:s20+$0x80E0];
	v3 =	vadd.s32 v3, v57  }
0x1b0: {  	v63 =	vld [tilespmem:s20+$0x80F0];
	v3 =	vadd.s32 v3, v58  }
0x1b1: {  	v3 =	vadd.s32 v3, v59  }
0x1b2: {  	v3 =	vadd.s32 v3, v60  }
0x1b3: {  	v3 =	vadd.s32 v3, v61  }
0x1b4: {  	v3 =	vadd.s32 v3, v62  }
0x1b5: {  	v3 =	vadd.s32 v3, v63  }
0x1b6: {  	(xrf0) =	vadd.scan.msk.s32 $0xffff, v3;
	_ =	sdelay $0x5  }
0x1b7: {  	v3, _, _ =	vpop (xrf0)  }
0x1b8: {  	(v2sf) =	vpush v3, $0xF;
	_ =	sdelay $0xe  }
0x1b9: {  	s31 =	spop (v2sf)  }
0x1ba: {  	s20 =	sadd.s32 s21, s31  }
0x1bb: {  	p3 =	sle.s32 s20, s13  }
0x1bc: {  	s22 =	simm.s32 @!p3 $0x1;
	p4 =	por !p2, p3  }
0x1bd: {  	s22 =	simm.s32 @p4 $0x0  }
0x1be: {  	p4 =	seq.s32 @!p3 s22, $0x1  }
0x1bf: {  	p4 =	por p3, p4  }
.Ltmp25:
0x1c0: {  	_ = 	snop;
	(pc) =	sbr.rel @p4 .LBB2_41-.Ltmp25, $1  }
0x1c1: {  	_ =	sdelay $0x3  }
0x1c2: {  	s22 =	sshra.s32 s16, $0x2  }
0x1c3: {  	s22 =	sadd.s32 s22, s14  }
0x1c4: {  	v3 =	vld [tilespmem:s22+$0x0];
	_ =	sdelay $0x4  }
0x1c5: {  	(xrf0) =	vadd.scan.msk.s32 $0xffff, v3;
	_ =	sdelay $0x3  }
0x1c6: {  	s24 =	sadd.s32 $0x40, s16  }
0x1c7: {  	s23 =	sshra.s32 s24, $0x2  }
0x1c8: {  	s23 =	sadd.s32 s23, s14;
	v3, _, _ =	vpop (xrf0)  }
0x1c9: {  	(v2sf) =	vpush v3, $0xF;
	v3 =	vld [tilespmem:s23+$0x0]  }
0x1ca: {  	s22 =	sadd.s32 $0x40, s24  }
0x1cb: {  	s24 =	sshra.s32 s22, $0x2;
	s22 =	sadd.s32 $0x40, s22  }
0x1cc: {  	s25 =	sadd.s32 s24, s14;
	s26 =	sshra.s32 s22, $0x2  }
0x1cd: {  	v4 =	vld [tilespmem:s25+$0x0];
	s28 =	sadd.s32 s26, s14  }
0x1ce: {  	v5 =	vld [tilespmem:s28+$0x0];
	(xrf0) =	vadd.scan.msk.s32 $0xffff, v3;
	_ =	sdelay $0x3  }
0x1cf: {  	(xrf0) =	vadd.scan.msk.s32 $0xffff, v4  }
0x1d0: {  	(xrf0) =	vadd.scan.msk.s32 $0xffff, v5  }
0x1d1: {  	v4, _, _ =	vpop (xrf0)  }
0x1d2: {  	(v2sf) =	vpush v4, $0xF;
	_ =	sdelay $0x2  }
0x1d3: {  	s22 =	sadd.s32 $0x40, s22;
	v4, _, _ =	vpop (xrf0)  }
0x1d4: {  	s29 =	sshra.s32 s22, $0x2;
	s30 =	spop (v2sf);
	(v2sf) =	vpush v4, $0xF;
	v4, _, _ =	vpop (xrf0)  }
0x1d5: {  	s23 =	sadd.s32 s29, s14;
	(v2sf) =	vpush v4, $0xF  }
0x1d6: {  	v3 =	vld [tilespmem:s23+$0x0];
	_ =	sdelay $0x2  }
0x1d7: {  	s22 =	sadd.s32 $0x40, s22  }
0x1d8: {  	s31 =	sshra.s32 s22, $0x2  }
0x1d9: {  	s25 =	smov.u32 s17;
	s24 =	sadd.s32 s31, s14;
	(xrf0) =	vadd.scan.msk.s32 $0xffff, v3;
	s21 =	sadd.s32 s21, s30  }
0x1da: {  	p4 =	por $0x0, $0x0;
	s25 =	smov.u32 @p1 s18;
	v3 =	vld [tilespmem:s24+$0x0];
	p3 =	sgt.s32 s21, s13  }
0x1db: {  	s23 =	sadd.s32 $0x40, s22;
	s22 =	smov.u32 s17;
	s18 =	smov.u32 @p3 s25  }
.LBB2_43:
0x1dc: {  	s24 =	sshra.s32 s23, $0x2  }
0x1dd: {  	s25 =	spop (v2sf);
	s22 =	sadd.s32 $0x1, s22;
	p5 =	sne.s32 s23, $0x3C0  }
.Ltmp26:
0x1de: {  	s24 =	sadd.s32 s24, s14;
	s21 =	sadd.s32 s21, s25;
	(pc) =	sbr.rel @p5 .LBB2_43-.Ltmp26, $4  }
0x1df: {  	s23 =	sadd.s32 $0x40, s23;
	p4 =	por p4, p3;
	(xrf0) =	vadd.scan.msk.s32 $0xffff, v3;
	v4, _, _ =	vpop (xrf0)  }
0x1e0: {  	v3 =	vld [tilespmem:s24+$0x0];
	s24 =	smov.u32 s22  }
0x1e1: {  	p3 =	sgt.s32 s21, s13;
	(v2sf) =	vpush v4, $0xF;
	s24 =	smov.u32 @p4 s18  }
0x1e2: {  	s18 =	smov.u32 @p3 s24  }
0x1e3: {  	_ =	sdelay $0x1  }
0x1e4: {  	(xrf0) =	vadd.scan.msk.s32 $0xffff, v3;
	_ =	sdelay $0x3  }
0x1e5: {  	v3, _, _ =	vpop (xrf0)  }
0x1e6: {  	(v2sf) =	vpush v3, $0xF  }
0x1e7: {  	v3, _, _ =	vpop (xrf0)  }
0x1e8: {  	(v2sf) =	vpush v3, $0xF;
	_ =	sdelay $0x5  }
0x1e9: {  	s23 =	spop (v2sf);
	s22 =	sadd.s32 $0x1, s22;
	p3 =	por p4, p3  }
0x1ea: {  	s21 =	sadd.s32 s21, s23;
	s23 =	sadd.s32 $0x1, s22;
	s24 =	spop (v2sf)  }
0x1eb: {  	s22 =	smov.u32 @p3 s18;
	p4 =	sgt.s32 s21, s13;
	s21 =	sadd.s32 s21, s24  }
0x1ec: {  	s18 =	smov.u32 @p4 s22;
	p3 =	por p3, p4;
	s22 =	sadd.s32 $0x1, s23  }
0x1ed: {  	p4 =	sgt.s32 s21, s13;
	s23 =	smov.u32 @p3 s18;
	s29 =	spop (v2sf)  }
0x1ee: {  	p3 =	por p3, p4;
	s18 =	smov.u32 @p4 s23;
	s21 =	sadd.s32 s21, s29  }
0x1ef: {  	s23 =	sadd.s32 $0x1, s22;
	s22 =	smov.u32 @p3 s18;
	p4 =	sgt.s32 s21, s13  }
0x1f0: {  	s18 =	smov.u32 @p4 s22;
	p3 =	por p3, p4;
	s30 =	spop (v2sf)  }
.Ltmp27:
0x1f1: {  	s22 =	sadd.s32 $0x1, s23;
	s21 =	sadd.s32 s21, s30;
	(pc) =	sbr.rel .LBB2_45-.Ltmp27, $4  }
0x1f2: {  	s23 =	smov.u32 @p3 s18;
	p4 =	sgt.s32 s21, s13;
	s31 =	spop (v2sf)  }
0x1f3: {  	s18 =	smov.u32 @p4 s23;
	p3 =	por p3, p4;
	s21 =	sadd.s32 s21, s31  }
0x1f4: {  	s22 =	smov.u32 @p3 s18;
	p4 =	sgt.s32 s21, s13  }
0x1f5: {  	s18 =	smov.u32 @p4 s22  }
.LBB2_46:
0x1f6: {  	s13 =	sshll.u32 s15, $0x8  }
0x1f7: {  	s13 =	sor.u32 s13, s18  }
0x1f8: {  	s14 =	simm.s32 $0xFFFFFFFF;
	p1 =	sgt.s32 s13, $0xFFFFFFFF  }
0x1f9: {  	s14 =	simm.s32 @!p1 $0x80000000  }
0x1fa: {  	s13 =	sxor.u32 s13, s14  }
0x1fb: {  	v3 =	vmov s13  }
0x1fc: {  	s14 =	simm.s32 $0x40;
	s13 =	simm.s32 $0x0;
	v3 =	vbroadcast v3, $0x0  }
.LBB2_47:
0x1fd: {  	p1 =	sne.s32 s14, $0x1FFC0;
	v4 =	vld [tilespmem:s13+$0x0];
	_ =	sdelay $0x3  }
.Ltmp28:
0x1fe: {  	(pc) =	sbr.rel @p1 .LBB2_47-.Ltmp28, $3  }
0x1ff: {  	v4 =	vsub.f32 v4, v3;
	_ =	sdelay $0x1  }
0x200: {  	v4 =	vmax.f32 v4, $0.0e+00  }
0x201: {  	[tilespmem:s13+$0x0] =	vst v4;
	s13 =	sshra.s32 s14, $0x2;
	s14 =	sadd.s32 $0x40, s14  }
0x202: {  	v4 =	vld [tilespmem:s13+$0x0];
	_ =	sdelay $0x4  }
0x203: {  	v3 =	vsub.f32 v4, v3;
	_ =	sdelay $0x1  }
0x204: {  	v3 =	vmax.f32 v3, $0.0e+00  }
.Ltmp29:
0x205: {  	s12 =	sadd.s32 s2, s12;
	[tilespmem:s13+$0x0] =	vst v3;
	(pc) =	sbr.rel @p0 .LBB2_2-.Ltmp29, $4  }
0x206: {  	[hbm4b:s12+s7] =	stream.strided.scatter [tilespmem:s4], [sflag:$0x1], $0x8000, s8, s7, $0x38;
	[tilespmem:$0x9000] =	vst v63  }
0x207: {  	_ =	swait.ge [sflag:s9], $0x8000  }
0x208: {  	[sflag:s9] =	ssyncset.done $0x0  }
0x209: {  	p1 =	por $0x0, $0x0;
	s12 =	simm.s32 $0x10;
	[sflag:s9] =	ssyncadd.s32 $0xFFFF8000  }
0x20a: {  	s11 =	sadd.s32 $0x1, s11  }
0x20b: {  	p0 =	sne.s32 s11, s5  }
.Ltmp30:
0x20c: {  	_ = 	snop;
	(pc) =	sbr.rel @p0 .LBB2_1-.Ltmp30, $1  }
0x20d: {  	_ =	sdelay $0x3  }
0x20e: {  	_ =	sfence.sel $0x180000  }
0x20f: {  	[bflag:$0x0] =	sbarrier.arrive $0xFFFF  }
0x210: {  	p0 =	sne.s32 s3, $0x0;
	_ =	strace $0x90000047  }
0x211: {  	s0 =	sadd.s32 @!p0 $0x100000, s0;
	[bflag:$0x2] =	sbarrier.arrive $0xFFFF  }
0x212: {  	[sflag:s0] =	ssyncadd.tile.s32 @!p0 $0x1;
	_ =	shalt  }
.Lfunc_end2:
_tile_overlayer_lowered:
.L_overlay_start_2:
0x213: {  	(tag) =	ssettag $0x2  }
0x214: {  	s0 =	rddreg [dreg:$0x0];
	s2 =	stileid.u32  }
0x215: {  	s1 =	rddreg [dreg:$0x1];
	p0 =	sne.s32 s2, $0x0  }
0x216: {  	s3 =	rddreg [dreg:$0x2];
	[bflag:$0x3] =	sbarrier.arrive $0xFFFF;
	s2 =	simm.s32 @!p0 $0x1C01  }
0x217: {  	[timem:s3], [sflag:s2] =	dma.local @!p0 [hbm:s0], s1  }
0x218: {  	s0 =	simm.s32 @!p0 $0x1  }
0x219: {  	_ =	swait.ge @!p0 [sflag:s0], s1  }
0x21a: {  	s1 =	ssub.s32 @!p0 $0x0, s1;
	[sflag:s0] =	ssyncset.done @!p0 $0x0  }
0x21b: {  	[sflag:s0] =	ssyncadd.s32 @!p0 s1  }
0x21c: {  	[bflag:$0x3] =	sbarrier.arrive $0xFFFF  }
0x21d: {  	_ =	shalt  }

</sc_bundles>
